<compile_context>
chip_gen: v7x
topology: tpu7x:2x2x1
jax: 0.10.2.dev20260603
libtpu: 0.0.44.dev20260713+nightly
codegen_flags: <defaults>
</compile_context>

<pallas_src>
import functools

import jax
import jax.numpy as jnp
from jax import lax
from jax.experimental import pallas as pl
from jax.experimental.pallas import tpu as pltpu
from jax.experimental.pallas import tpu_sc as plsc

N_EMB = 8192
DIM = 256
B = 8192
COMMIT = 0.25

BM = 2048
N_STEPS = B // BM
CK = 1024
N_CHUNKS = N_EMB // CK

NC = 2
NS = 16
NW = NC * NS
BPW = B // NW
CHUNK = 128


def _dist_argmin_kernel(z_ref, e_ref, idx_ref, loss_ref, en_ref, cols_ref):
    i = pl.program_id(0)

    @pl.when(i == 0)
    def _():
        en_ref[...] = jnp.sum(e_ref[...] * e_ref[...], axis=1)[None, :]
        cols_ref[...] = lax.broadcasted_iota(
            jnp.int32, (1, N_EMB), 1).astype(jnp.float32)
        loss_ref[0, 0] = 0.0

    z = z_ref[...]
    zn = jnp.sum(z * z, axis=1, keepdims=True)
    z2 = z + z
    best_m = None
    for c in range(N_CHUNKS):
        sl = pl.ds(c * CK, CK)
        mm2 = lax.dot_general(z2, e_ref[sl, :],
                              dimension_numbers=(((1,), (1,)), ((), ())),
                              preferred_element_type=jnp.float32)
        d = (zn + en_ref[:, sl]) - mm2
        m_c = jnp.min(d, axis=1, keepdims=True)
        i_c = jnp.min(jnp.where(d == m_c, cols_ref[:, sl],
                                jnp.float32(N_EMB)), axis=1, keepdims=True)
        if best_m is None:
            best_m, best_i = m_c, i_c
        else:
            best_i = jnp.where(m_c < best_m, i_c, best_i)
            best_m = jnp.minimum(best_m, m_c)
    idx_ref[...] = best_i[:, 0].astype(jnp.int32).reshape(BM // CHUNK, CHUNK)
    loss_ref[0, 0] += jnp.sum(best_m)

    @pl.when(i == pl.num_programs(0) - 1)
    def _():
        loss_ref[0, 0] = loss_ref[0, 0] * ((1.0 + COMMIT) / (B * DIM))


def _dist_argmin_call(inputs, emb, nb):
    nsteps = nb // BM
    return pl.pallas_call(
        _dist_argmin_kernel,
        grid=(nsteps,),
        in_specs=[
            pl.BlockSpec((BM, DIM), lambda i: (i, 0)),
            pl.BlockSpec((N_EMB, DIM), lambda i: (0, 0)),
        ],
        out_specs=[
            pl.BlockSpec((BM // CHUNK, CHUNK), lambda i: (i, 0)),
            pl.BlockSpec(memory_space=pltpu.SMEM, block_shape=(1, 1),
                         index_map=lambda i: (0, 0)),
        ],
        out_shape=[
            jax.ShapeDtypeStruct((nb // CHUNK, CHUNK), jnp.int32),
            jax.ShapeDtypeStruct((1, 1), jnp.float32),
        ],
        scratch_shapes=[pltpu.VMEM((1, N_EMB), jnp.float32),
                        pltpu.VMEM((1, N_EMB), jnp.float32)],
    )(inputs, emb)


def _make_sc_gather_body(nb):
    bpw = nb // NW
    nchunk = bpw // CHUNK

    def body(table_hbm, idx_hbm, out_hbm, idx_v, rows_v, sem):
        wid = lax.axis_index("s") * NC + lax.axis_index("c")
        pltpu.sync_copy(idx_hbm.at[pl.ds(wid * nchunk, nchunk)], idx_v)
        copies = [
            pltpu.async_copy(table_hbm.at[idx_v.at[j]],
                             rows_v.at[pl.ds(j * CHUNK, CHUNK)], sem)
            for j in range(nchunk)
        ]
        for c in copies:
            c.wait()
        pltpu.sync_copy(rows_v, out_hbm.at[pl.ds(wid * bpw, bpw)])

    return body


def _sc_gather(emb, idx2d, nb):
    call = pl.kernel(
        _make_sc_gather_body(nb),
        out_type=jax.ShapeDtypeStruct((nb, DIM), jnp.float32),
        mesh=plsc.VectorSubcoreMesh(core_axis_name="c", subcore_axis_name="s"),
        scratch_types=[
            pltpu.VMEM((nb // NW // CHUNK, CHUNK), jnp.int32),
            pltpu.VMEM((nb // NW, DIM), jnp.float32),
            pltpu.SemaphoreType.DMA,
        ],
    )
    return call(emb, idx2d)


def kernel(inputs, embedding_weight):
    idx2d, loss = _dist_argmin_call(inputs, embedding_weight, B)
    quantized = _sc_gather(embedding_weight, idx2d, B)
    return quantized, loss.reshape(()), idx2d.reshape(B)

# --- scband reference (transcript-rebuilt; emitter-appended) ---
"""Pipeline reference for scband-vector-quantizer-12292196401312 (READ-ONLY COPY).

The authoritative reference and input builder live on the scoring server;
editing this copy changes nothing except your own understanding.
"""

import jax, jax.numpy as jnp
import numpy as np

NUM_EMBEDDINGS = 8192
EMBEDDING_DIM = 256
COMMITMENT_COST = 0.25
BATCH = 8192


def setup_inputs(seed: int = 0) -> dict:
    key = jax.random.key(seed)
    k1, k2 = jax.random.split(key)
    inputs = jax.random.normal(k1, (BATCH, EMBEDDING_DIM), dtype=jnp.float32)
    # kaiming-uniform-like init for the embedding table
    bound = float(np.sqrt(3.0 / EMBEDDING_DIM))
    embedding_weight = jax.random.uniform(
        k2, (NUM_EMBEDDINGS, EMBEDDING_DIM), dtype=jnp.float32,
        minval=-bound, maxval=bound)
    return {"inputs": inputs, "embedding_weight": embedding_weight}


def reference(inputs, embedding_weight):
    # eval-mode path of VectorQuantizer.forward (no EMA buffer updates, no gumbel)
    distances = (jnp.sum(inputs ** 2, axis=1, keepdims=True)
                 + jnp.sum(embedding_weight ** 2, axis=1)
                 - 2.0 * (inputs @ embedding_weight.T))
    encoding_indices = jnp.argmin(distances, axis=1)
    # one_hot(encoding_indices) @ embedding_weight == gather of codebook rows
    quantized = jnp.take(embedding_weight, encoding_indices, axis=0)
    e_latent_loss = jnp.mean((inputs - jax.lax.stop_gradient(quantized)) ** 2)
    q_latent_loss = jnp.mean((quantized - jax.lax.stop_gradient(inputs)) ** 2)
    loss = q_latent_loss + COMMITMENT_COST * e_latent_loss
    # straight-through estimator
    quantized_ste = inputs + jax.lax.stop_gradient(quantized - inputs)
    return quantized_ste, loss, encoding_indices

if __name__ == "__main__":
    import jax
    _d = setup_inputs()
    print(jax.jit(kernel)(*tuple(_d.values())))

</pallas_src>

<mosaic_0001>
#map = affine_map<(d0, d1) -> (0, 0)>
module attributes {stable_mosaic.version = 14 : i64} {
  func.func @body(%arg0: i32, %arg1: i32, %arg2: memref<8192x256xf32, #tpu.memory_space<hbm>>, %arg3: memref<64x128xi32, #tpu.memory_space<hbm>>, %arg4: memref<8192x256xf32, #tpu.memory_space<hbm>>, %arg5: memref<2x128xi32, #tpu.memory_space<vmem>>, %arg6: memref<256x256xf32, #tpu.memory_space<vmem>>, %arg7: memref<!tpu.dma_semaphore, #tpu.memory_space<semaphore_mem>>) attributes {dimension_semantics = [#tpu.dimension_semantics<core_parallel>, #tpu.dimension_semantics<subcore_parallel>], iteration_bounds = array<i64: 2, 16>, scalar_prefetch = 0 : i64, scratch_operands = 3 : i64, tpu.core_type = #tpu.core_type<sc_vector_subcore>, window_params = [{transform_indices = #map}, {transform_indices = #map}, {transform_indices = #map}]} {
    %mul3A = arith.constant 2 : i32
    %mul3A_0 = arith.muli %arg1, %mul3A : i32
    %add3A = arith.addi %mul3A_0, %arg0 : i32
    %mul3A_1 = arith.constant 2 : i32
    %mul3A_2 = arith.muli %add3A, %mul3A_1 : i32
    "tpu.region"() ({
      %run_scoped3A = tpu.sem_alloc : memref<!tpu.dma_semaphore, #tpu.memory_space<semaphore_mem>>
      %dma_start3A_43 = arith.constant 0 : i32
      %dma_start3A_44 = tpu.memref_slice %arg3[%mul3A_2, %dma_start3A_43] : memref<64x128xi32, #tpu.memory_space<hbm>> -> memref<2x128xi32, #tpu.memory_space<hbm>>
      %dma_start3A_45 = arith.constant 0 : i32
      %dma_start3A_46 = tpu.memref_slice %arg3[%mul3A_2, %dma_start3A_45] : memref<64x128xi32, #tpu.memory_space<hbm>> -> memref<2x128xi32, #tpu.memory_space<hbm>>
      tpu.enqueue_dma source(%dma_start3A_46 : memref<2x128xi32, #tpu.memory_space<hbm>>) target(%arg5 : memref<2x128xi32, #tpu.memory_space<vmem>>) target_semaphore(%run_scoped3A : memref<!tpu.dma_semaphore, #tpu.memory_space<semaphore_mem>>)
      %dma_wait3A_47 = arith.constant 0 : i32
      %dma_wait3A_48 = tpu.memref_slice %arg3[%mul3A_2, %dma_wait3A_47] : memref<64x128xi32, #tpu.memory_space<hbm>> -> memref<2x128xi32, #tpu.memory_space<hbm>>
      %dma_wait3A_49 = arith.constant 0 : i32
      %dma_wait3A_50 = tpu.memref_slice %arg3[%mul3A_2, %dma_wait3A_49] : memref<64x128xi32, #tpu.memory_space<hbm>> -> memref<2x128xi32, #tpu.memory_space<hbm>>
      tpu.wait_dma2 semaphore(%run_scoped3A : memref<!tpu.dma_semaphore, #tpu.memory_space<semaphore_mem>>) src(%dma_wait3A_50 : memref<2x128xi32, #tpu.memory_space<hbm>>) dst(%arg5 : memref<2x128xi32, #tpu.memory_space<vmem>>)
      tpu.yield
    }) : () -> ()
    %dma_start3A = arith.constant 0 : i32
    %dma_start3A_3 = arith.constant 0 : i32
    %dma_start3A_4 = arith.constant 0 : i32
    %dma_start3A_5 = tpu.memref_slice %arg6[%dma_start3A_3, %dma_start3A_4] : memref<256x256xf32, #tpu.memory_space<vmem>> -> memref<128x256xf32, #tpu.memory_space<vmem>>
    %dma_start3A_6 = arith.constant 0 : i32
    %dma_start3A_7 = tpu.memref_slice %arg5[%dma_start3A, %dma_start3A_6] : memref<2x128xi32, #tpu.memory_space<vmem>> -> memref<1x128xi32, #tpu.memory_space<vmem>>
    %dma_start3A_8 = tpu.memref_squeeze %dma_start3A_7 : memref<1x128xi32, #tpu.memory_space<vmem>> -> memref<128xi32, #tpu.memory_space<vmem>>
    %dma_start3A_9 = arith.constant 0 : i32
    %dma_start3A_10 = arith.constant 0 : i32
    %dma_start3A_11 = tpu.memref_slice %arg2[%dma_start3A_9, %dma_start3A_10] : memref<8192x256xf32, #tpu.memory_space<hbm>> -> memref<8192x256xf32, #tpu.memory_space<hbm>>
    tpu.enqueue_indirect_dma source(%dma_start3A_11 : memref<8192x256xf32, #tpu.memory_space<hbm>>) target(%dma_start3A_5 : memref<128x256xf32, #tpu.memory_space<vmem>>) offsets(%dma_start3A_8 : memref<128xi32, #tpu.memory_space<vmem>>) semaphore(%arg7 : memref<!tpu.dma_semaphore, #tpu.memory_space<semaphore_mem>>)
    %dma_start3A_12 = arith.constant 1 : i32
    %dma_start3A_13 = arith.constant 128 : i32
    %dma_start3A_14 = arith.constant 0 : i32
    %dma_start3A_15 = tpu.memref_slice %arg6[%dma_start3A_13, %dma_start3A_14] : memref<256x256xf32, #tpu.memory_space<vmem>> -> memref<128x256xf32, #tpu.memory_space<vmem>>
    %dma_start3A_16 = arith.constant 0 : i32
    %dma_start3A_17 = tpu.memref_slice %arg5[%dma_start3A_12, %dma_start3A_16] : memref<2x128xi32, #tpu.memory_space<vmem>> -> memref<1x128xi32, #tpu.memory_space<vmem>>
    %dma_start3A_18 = tpu.memref_squeeze %dma_start3A_17 : memref<1x128xi32, #tpu.memory_space<vmem>> -> memref<128xi32, #tpu.memory_space<vmem>>
    %dma_start3A_19 = arith.constant 0 : i32
    %dma_start3A_20 = arith.constant 0 : i32
    %dma_start3A_21 = tpu.memref_slice %arg2[%dma_start3A_19, %dma_start3A_20] : memref<8192x256xf32, #tpu.memory_space<hbm>> -> memref<8192x256xf32, #tpu.memory_space<hbm>>
    tpu.enqueue_indirect_dma source(%dma_start3A_21 : memref<8192x256xf32, #tpu.memory_space<hbm>>) target(%dma_start3A_15 : memref<128x256xf32, #tpu.memory_space<vmem>>) offsets(%dma_start3A_18 : memref<128xi32, #tpu.memory_space<vmem>>) semaphore(%arg7 : memref<!tpu.dma_semaphore, #tpu.memory_space<semaphore_mem>>)
    %dma_wait3A = arith.constant 0 : i32
    %dma_wait3A_22 = arith.constant 0 : i32
    %dma_wait3A_23 = arith.constant 0 : i32
    %dma_wait3A_24 = tpu.memref_slice %arg6[%dma_wait3A_22, %dma_wait3A_23] : memref<256x256xf32, #tpu.memory_space<vmem>> -> memref<128x256xf32, #tpu.memory_space<vmem>>
    %dma_wait3A_25 = arith.constant 0 : i32
    %dma_wait3A_26 = tpu.memref_slice %arg5[%dma_wait3A, %dma_wait3A_25] : memref<2x128xi32, #tpu.memory_space<vmem>> -> memref<1x128xi32, #tpu.memory_space<vmem>>
    %dma_wait3A_27 = tpu.memref_squeeze %dma_wait3A_26 : memref<1x128xi32, #tpu.memory_space<vmem>> -> memref<128xi32, #tpu.memory_space<vmem>>
    %dma_wait3A_28 = arith.constant 0 : i32
    %dma_wait3A_29 = arith.constant 0 : i32
    %dma_wait3A_30 = tpu.memref_slice %arg2[%dma_wait3A_28, %dma_wait3A_29] : memref<8192x256xf32, #tpu.memory_space<hbm>> -> memref<8192x256xf32, #tpu.memory_space<hbm>>
    tpu.wait_indirect_dma semaphore(%arg7 : memref<!tpu.dma_semaphore, #tpu.memory_space<semaphore_mem>>) src(%dma_wait3A_30 : memref<8192x256xf32, #tpu.memory_space<hbm>>) dst(%dma_wait3A_24 : memref<128x256xf32, #tpu.memory_space<vmem>>)
    %dma_wait3A_31 = arith.constant 1 : i32
    %dma_wait3A_32 = arith.constant 128 : i32
    %dma_wait3A_33 = arith.constant 0 : i32
    %dma_wait3A_34 = tpu.memref_slice %arg6[%dma_wait3A_32, %dma_wait3A_33] : memref<256x256xf32, #tpu.memory_space<vmem>> -> memref<128x256xf32, #tpu.memory_space<vmem>>
    %dma_wait3A_35 = arith.constant 0 : i32
    %dma_wait3A_36 = tpu.memref_slice %arg5[%dma_wait3A_31, %dma_wait3A_35] : memref<2x128xi32, #tpu.memory_space<vmem>> -> memref<1x128xi32, #tpu.memory_space<vmem>>
    %dma_wait3A_37 = tpu.memref_squeeze %dma_wait3A_36 : memref<1x128xi32, #tpu.memory_space<vmem>> -> memref<128xi32, #tpu.memory_space<vmem>>
    %dma_wait3A_38 = arith.constant 0 : i32
    %dma_wait3A_39 = arith.constant 0 : i32
    %dma_wait3A_40 = tpu.memref_slice %arg2[%dma_wait3A_38, %dma_wait3A_39] : memref<8192x256xf32, #tpu.memory_space<hbm>> -> memref<8192x256xf32, #tpu.memory_space<hbm>>
    tpu.wait_indirect_dma semaphore(%arg7 : memref<!tpu.dma_semaphore, #tpu.memory_space<semaphore_mem>>) src(%dma_wait3A_40 : memref<8192x256xf32, #tpu.memory_space<hbm>>) dst(%dma_wait3A_34 : memref<128x256xf32, #tpu.memory_space<vmem>>)
    %mul3A_41 = arith.constant 256 : i32
    %mul3A_42 = arith.muli %add3A, %mul3A_41 : i32
    "tpu.region"() ({
      %run_scoped3A = tpu.sem_alloc : memref<!tpu.dma_semaphore, #tpu.memory_space<semaphore_mem>>
      %dma_start3A_43 = arith.constant 0 : i32
      %dma_start3A_44 = tpu.memref_slice %arg4[%mul3A_42, %dma_start3A_43] : memref<8192x256xf32, #tpu.memory_space<hbm>> -> memref<256x256xf32, #tpu.memory_space<hbm>>
      %dma_start3A_45 = arith.constant 0 : i32
      %dma_start3A_46 = tpu.memref_slice %arg4[%mul3A_42, %dma_start3A_45] : memref<8192x256xf32, #tpu.memory_space<hbm>> -> memref<256x256xf32, #tpu.memory_space<hbm>>
      tpu.enqueue_dma source(%arg6 : memref<256x256xf32, #tpu.memory_space<vmem>>) target(%dma_start3A_46 : memref<256x256xf32, #tpu.memory_space<hbm>>) target_semaphore(%run_scoped3A : memref<!tpu.dma_semaphore, #tpu.memory_space<semaphore_mem>>)
      %dma_wait3A_47 = arith.constant 0 : i32
      %dma_wait3A_48 = tpu.memref_slice %arg4[%mul3A_42, %dma_wait3A_47] : memref<8192x256xf32, #tpu.memory_space<hbm>> -> memref<256x256xf32, #tpu.memory_space<hbm>>
      %dma_wait3A_49 = arith.constant 0 : i32
      %dma_wait3A_50 = tpu.memref_slice %arg4[%mul3A_42, %dma_wait3A_49] : memref<8192x256xf32, #tpu.memory_space<hbm>> -> memref<256x256xf32, #tpu.memory_space<hbm>>
      tpu.wait_dma2 semaphore(%run_scoped3A : memref<!tpu.dma_semaphore, #tpu.memory_space<semaphore_mem>>) src(%arg6 : memref<256x256xf32, #tpu.memory_space<vmem>>) dst(%dma_wait3A_50 : memref<256x256xf32, #tpu.memory_space<hbm>>)
      tpu.yield
    }) : () -> ()
    return
  }
}

module attributes {stable_mosaic.version = 14 : i64} {
  func.func @_dist_argmin_kernel(%arg0: i32, %arg1: memref<2048x256xf32, #tpu.memory_space<vmem>>, %arg2: memref<8192x256xf32, #tpu.memory_space<vmem>>, %arg3: memref<16x128xi32, #tpu.memory_space<vmem>>, %arg4: memref<1x1xf32, #tpu.memory_space<smem>>, %arg5: memref<1x8192xf32, #tpu.memory_space<vmem>>, %arg6: memref<1x8192xf32, #tpu.memory_space<vmem>>) attributes {dimension_semantics = [#tpu.dimension_semantics<arbitrary>], iteration_bounds = array<i64: 4>, scalar_prefetch = 0 : i64, scratch_operands = 2 : i64, tpu.core_type = #tpu.core_type<tc>, window_params = [{transform_indices = @transform_0, window_bounds = array<i64: 2048, 256>}, {pipeline_mode = #tpu.pipeline_mode<synchronous>, transform_indices = @transform_1, window_bounds = array<i64: 8192, 256>}, {transform_indices = @transform_2, window_bounds = array<i64: 16, 128>}, {transform_indices = @transform_3, window_bounds = array<i64: 1, 1>}]} {
    %eq3A = arith.constant 0 : i32
    %eq3A_0 = arith.cmpi eq, %arg0, %eq3A : i32
    %convert_element_type3A = arith.extui %eq3A_0 : i1 to i32
    %cond3A = arith.constant 0 : i32
    %cond3A_1 = arith.cmpi ne, %convert_element_type3A, %cond3A : i32
    scf.if %cond3A_1 {
      %get3A_263 = arith.constant 0 : index
      %get3A_264 = arith.constant 0 : index
      %get3A_265 = vector.load %arg2[%get3A_263, %get3A_264] : memref<8192x256xf32, #tpu.memory_space<vmem>>, vector<8192x256xf32>
      %get3A_266 = arith.constant 0 : index
      %get3A_267 = arith.constant 0 : index
      %get3A_268 = vector.load %arg2[%get3A_266, %get3A_267] : memref<8192x256xf32, #tpu.memory_space<vmem>>, vector<8192x256xf32>
      %mul3A_269 = arith.mulf %get3A_265, %get3A_268 : vector<8192x256xf32>
      %reduce_sum3A_270 = arith.constant dense<0.000000e+00> : vector<8192xf32>
      %reduce_sum3A_271 = vector.multi_reduction <add>, %mul3A_269, %reduce_sum3A_270 [1] : vector<8192x256xf32> to vector<8192xf32>
      %broadcast_in_dim3A_272 = vector.shape_cast %reduce_sum3A_271 : vector<8192xf32> to vector<1x8192xf32>
      %swap3A_273 = arith.constant 0 : index
      %swap3A_274 = arith.constant 0 : index
      %swap3A_275 = vector.load %arg5[%swap3A_273, %swap3A_274] : memref<1x8192xf32, #tpu.memory_space<vmem>>, vector<1x8192xf32>
      tpu.vector_store %arg5[%swap3A_273, %swap3A_274], %broadcast_in_dim3A_272 {strides = array<i32>} : memref<1x8192xf32, #tpu.memory_space<vmem>>, vector<1x8192xf32>,
      %iota3A = tpu.iota {dimensions = array<i32: 1>} : vector<1x8192xi32>
      %convert_element_type3A_276 = arith.sitofp %iota3A : vector<1x8192xi32> to vector<1x8192xf32>
      %swap3A_277 = arith.constant 0 : index
      %swap3A_278 = arith.constant 0 : index
      %swap3A_279 = vector.load %arg6[%swap3A_277, %swap3A_278] : memref<1x8192xf32, #tpu.memory_space<vmem>>, vector<1x8192xf32>
      tpu.vector_store %arg6[%swap3A_277, %swap3A_278], %convert_element_type3A_276 {strides = array<i32>} : memref<1x8192xf32, #tpu.memory_space<vmem>>, vector<1x8192xf32>,
      %swap3A_280 = arith.constant 0.000000e+00 : f32
      %swap3A_281 = arith.constant 0 : index
      %swap3A_282 = arith.constant 0 : index
      %swap3A_283 = memref.load %arg4[%swap3A_281, %swap3A_282] : memref<1x1xf32, #tpu.memory_space<smem>>
      memref.store %swap3A_280, %arg4[%swap3A_281, %swap3A_282] : memref<1x1xf32, #tpu.memory_space<smem>>
    } else {
    }
    %get3A = arith.constant 0 : index
    %get3A_2 = arith.constant 0 : index
    %get3A_3 = vector.load %arg1[%get3A, %get3A_2] : memref<2048x256xf32, #tpu.memory_space<vmem>>, vector<2048x256xf32>
    %mul3A = arith.mulf %get3A_3, %get3A_3 : vector<2048x256xf32>
    %reduce_sum3A = arith.constant dense<0.000000e+00> : vector<2048xf32>
    %reduce_sum3A_4 = vector.multi_reduction <add>, %mul3A, %reduce_sum3A [1] : vector<2048x256xf32> to vector<2048xf32>
    %broadcast_in_dim3A = vector.shape_cast %reduce_sum3A_4 : vector<2048xf32> to vector<2048x1xf32>
    %add3A = arith.addf %get3A_3, %get3A_3 : vector<2048x256xf32>
    %get3A_5 = arith.constant 0 : index
    %get3A_6 = arith.constant 0 : index
    %get3A_7 = vector.load %arg2[%get3A_5, %get3A_6] : memref<8192x256xf32, #tpu.memory_space<vmem>>, vector<1024x256xf32>
    %dot_general3A = arith.constant dense<0.000000e+00> : vector<2048x1024xf32>
    %dot_general3A_8 = tpu.matmul %add3A, %get3A_7, %dot_general3A {dimension_numbers = #tpu.dot_dimension_numbers<[1], [1], [0], [0], [0, 0, 1, 0], [], []>, transpose_lhs_hint = false} : vector<2048x256xf32>, vector<1024x256xf32>, vector<2048x1024xf32> -> vector<2048x1024xf32>
    %get3A_9 = arith.constant 0 : index
    %get3A_10 = arith.constant 0 : index
    %get3A_11 = vector.load %arg5[%get3A_9, %get3A_10] : memref<1x8192xf32, #tpu.memory_space<vmem>>, vector<1x1024xf32>
    %add3A_12 = vector.broadcast %broadcast_in_dim3A : vector<2048x1xf32> to vector<2048x1024xf32>
    %add3A_13 = vector.broadcast %get3A_11 : vector<1x1024xf32> to vector<2048x1024xf32>
    %add3A_14 = arith.addf %add3A_12, %add3A_13 : vector<2048x1024xf32>
    %sub3A = arith.subf %add3A_14, %dot_general3A_8 : vector<2048x1024xf32>
    %reduce_min3A = arith.constant dense<0x7F800000> : vector<2048xf32>
    %reduce_min3A_15 = vector.multi_reduction <minimumf>, %sub3A, %reduce_min3A [1] : vector<2048x1024xf32> to vector<2048xf32>
    %broadcast_in_dim3A_16 = vector.shape_cast %reduce_min3A_15 : vector<2048xf32> to vector<2048x1xf32>
    %eq3A_17 = vector.broadcast %broadcast_in_dim3A_16 : vector<2048x1xf32> to vector<2048x1024xf32>
    %eq3A_18 = arith.cmpf oeq, %sub3A, %eq3A_17 : vector<2048x1024xf32>
    %get3A_19 = arith.constant 0 : index
    %get3A_20 = arith.constant 0 : index
    %get3A_21 = vector.load %arg6[%get3A_19, %get3A_20] : memref<1x8192xf32, #tpu.memory_space<vmem>>, vector<1x1024xf32>
    %jit3A = arith.constant 8.192000e+03 : f32
    %broadcast_in_dim3A_22 = vector.shape_cast %get3A_21 : vector<1x1024xf32> to vector<1x1024xf32>
    %broadcast_in_dim3A_23 = vector.broadcast %broadcast_in_dim3A_22 : vector<1x1024xf32> to vector<2048x1024xf32>
    %broadcast_in_dim3A_24 = vector.broadcast %jit3A : f32 to vector<2048x1024xf32>
    %select_n3A = arith.select %eq3A_18, %broadcast_in_dim3A_23, %broadcast_in_dim3A_24 : vector<2048x1024xi1>, vector<2048x1024xf32>
    %reduce_min3A_25 = arith.constant dense<0x7F800000> : vector<2048xf32>
    %reduce_min3A_26 = vector.multi_reduction <minimumf>, %select_n3A, %reduce_min3A_25 [1] : vector<2048x1024xf32> to vector<2048xf32>
    %broadcast_in_dim3A_27 = vector.shape_cast %reduce_min3A_26 : vector<2048xf32> to vector<2048x1xf32>
    %get3A_28 = arith.constant 1024 : index
    %get3A_29 = arith.constant 0 : index
    %get3A_30 = vector.load %arg2[%get3A_28, %get3A_29] : memref<8192x256xf32, #tpu.memory_space<vmem>>, vector<1024x256xf32>
    %dot_general3A_31 = arith.constant dense<0.000000e+00> : vector<2048x1024xf32>
    %dot_general3A_32 = tpu.matmul %add3A, %get3A_30, %dot_general3A_31 {dimension_numbers = #tpu.dot_dimension_numbers<[1], [1], [0], [0], [0, 0, 1, 0], [], []>, transpose_lhs_hint = false} : vector<2048x256xf32>, vector<1024x256xf32>, vector<2048x1024xf32> -> vector<2048x1024xf32>
    %get3A_33 = arith.constant 0 : index
    %get3A_34 = arith.constant 1024 : index
    %get3A_35 = vector.load %arg5[%get3A_33, %get3A_34] : memref<1x8192xf32, #tpu.memory_space<vmem>>, vector<1x1024xf32>
    %add3A_36 = vector.broadcast %broadcast_in_dim3A : vector<2048x1xf32> to vector<2048x1024xf32>
    %add3A_37 = vector.broadcast %get3A_35 : vector<1x1024xf32> to vector<2048x1024xf32>
    %add3A_38 = arith.addf %add3A_36, %add3A_37 : vector<2048x1024xf32>
    %sub3A_39 = arith.subf %add3A_38, %dot_general3A_32 : vector<2048x1024xf32>
    %reduce_min3A_40 = arith.constant dense<0x7F800000> : vector<2048xf32>
    %reduce_min3A_41 = vector.multi_reduction <minimumf>, %sub3A_39, %reduce_min3A_40 [1] : vector<2048x1024xf32> to vector<2048xf32>
    %broadcast_in_dim3A_42 = vector.shape_cast %reduce_min3A_41 : vector<2048xf32> to vector<2048x1xf32>
    %eq3A_43 = vector.broadcast %broadcast_in_dim3A_42 : vector<2048x1xf32> to vector<2048x1024xf32>
    %eq3A_44 = arith.cmpf oeq, %sub3A_39, %eq3A_43 : vector<2048x1024xf32>
    %get3A_45 = arith.constant 0 : index
    %get3A_46 = arith.constant 1024 : index
    %get3A_47 = vector.load %arg6[%get3A_45, %get3A_46] : memref<1x8192xf32, #tpu.memory_space<vmem>>, vector<1x1024xf32>
    %jit3A_48 = arith.constant 8.192000e+03 : f32
    %broadcast_in_dim3A_49 = vector.shape_cast %get3A_47 : vector<1x1024xf32> to vector<1x1024xf32>
    %broadcast_in_dim3A_50 = vector.broadcast %broadcast_in_dim3A_49 : vector<1x1024xf32> to vector<2048x1024xf32>
    %broadcast_in_dim3A_51 = vector.broadcast %jit3A_48 : f32 to vector<2048x1024xf32>
    %select_n3A_52 = arith.select %eq3A_44, %broadcast_in_dim3A_50, %broadcast_in_dim3A_51 : vector<2048x1024xi1>, vector<2048x1024xf32>
    %reduce_min3A_53 = arith.constant dense<0x7F800000> : vector<2048xf32>
    %reduce_min3A_54 = vector.multi_reduction <minimumf>, %select_n3A_52, %reduce_min3A_53 [1] : vector<2048x1024xf32> to vector<2048xf32>
    %broadcast_in_dim3A_55 = vector.shape_cast %reduce_min3A_54 : vector<2048xf32> to vector<2048x1xf32>
    %lt3A = arith.cmpf olt, %broadcast_in_dim3A_42, %broadcast_in_dim3A_16 : vector<2048x1xf32>
    %select_n3A_56 = arith.select %lt3A, %broadcast_in_dim3A_55, %broadcast_in_dim3A_27 : vector<2048x1xi1>, vector<2048x1xf32>
    %min3A = arith.minimumf %broadcast_in_dim3A_16, %broadcast_in_dim3A_42 : vector<2048x1xf32>
    %get3A_57 = arith.constant 2048 : index
    %get3A_58 = arith.constant 0 : index
    %get3A_59 = vector.load %arg2[%get3A_57, %get3A_58] : memref<8192x256xf32, #tpu.memory_space<vmem>>, vector<1024x256xf32>
    %dot_general3A_60 = arith.constant dense<0.000000e+00> : vector<2048x1024xf32>
    %dot_general3A_61 = tpu.matmul %add3A, %get3A_59, %dot_general3A_60 {dimension_numbers = #tpu.dot_dimension_numbers<[1], [1], [0], [0], [0, 0, 1, 0], [], []>, transpose_lhs_hint = false} : vector<2048x256xf32>, vector<1024x256xf32>, vector<2048x1024xf32> -> vector<2048x1024xf32>
    %get3A_62 = arith.constant 0 : index
    %get3A_63 = arith.constant 2048 : index
    %get3A_64 = vector.load %arg5[%get3A_62, %get3A_63] : memref<1x8192xf32, #tpu.memory_space<vmem>>, vector<1x1024xf32>
    %add3A_65 = vector.broadcast %broadcast_in_dim3A : vector<2048x1xf32> to vector<2048x1024xf32>
    %add3A_66 = vector.broadcast %get3A_64 : vector<1x1024xf32> to vector<2048x1024xf32>
    %add3A_67 = arith.addf %add3A_65, %add3A_66 : vector<2048x1024xf32>
    %sub3A_68 = arith.subf %add3A_67, %dot_general3A_61 : vector<2048x1024xf32>
    %reduce_min3A_69 = arith.constant dense<0x7F800000> : vector<2048xf32>
    %reduce_min3A_70 = vector.multi_reduction <minimumf>, %sub3A_68, %reduce_min3A_69 [1] : vector<2048x1024xf32> to vector<2048xf32>
    %broadcast_in_dim3A_71 = vector.shape_cast %reduce_min3A_70 : vector<2048xf32> to vector<2048x1xf32>
    %eq3A_72 = vector.broadcast %broadcast_in_dim3A_71 : vector<2048x1xf32> to vector<2048x1024xf32>
    %eq3A_73 = arith.cmpf oeq, %sub3A_68, %eq3A_72 : vector<2048x1024xf32>
    %get3A_74 = arith.constant 0 : index
    %get3A_75 = arith.constant 2048 : index
    %get3A_76 = vector.load %arg6[%get3A_74, %get3A_75] : memref<1x8192xf32, #tpu.memory_space<vmem>>, vector<1x1024xf32>
    %jit3A_77 = arith.constant 8.192000e+03 : f32
    %broadcast_in_dim3A_78 = vector.shape_cast %get3A_76 : vector<1x1024xf32> to vector<1x1024xf32>
    %broadcast_in_dim3A_79 = vector.broadcast %broadcast_in_dim3A_78 : vector<1x1024xf32> to vector<2048x1024xf32>
    %broadcast_in_dim3A_80 = vector.broadcast %jit3A_77 : f32 to vector<2048x1024xf32>
    %select_n3A_81 = arith.select %eq3A_73, %broadcast_in_dim3A_79, %broadcast_in_dim3A_80 : vector<2048x1024xi1>, vector<2048x1024xf32>
    %reduce_min3A_82 = arith.constant dense<0x7F800000> : vector<2048xf32>
    %reduce_min3A_83 = vector.multi_reduction <minimumf>, %select_n3A_81, %reduce_min3A_82 [1] : vector<2048x1024xf32> to vector<2048xf32>
    %broadcast_in_dim3A_84 = vector.shape_cast %reduce_min3A_83 : vector<2048xf32> to vector<2048x1xf32>
    %lt3A_85 = arith.cmpf olt, %broadcast_in_dim3A_71, %min3A : vector<2048x1xf32>
    %select_n3A_86 = arith.select %lt3A_85, %broadcast_in_dim3A_84, %select_n3A_56 : vector<2048x1xi1>, vector<2048x1xf32>
    %min3A_87 = arith.minimumf %min3A, %broadcast_in_dim3A_71 : vector<2048x1xf32>
    %get3A_88 = arith.constant 3072 : index
    %get3A_89 = arith.constant 0 : index
    %get3A_90 = vector.load %arg2[%get3A_88, %get3A_89] : memref<8192x256xf32, #tpu.memory_space<vmem>>, vector<1024x256xf32>
    %dot_general3A_91 = arith.constant dense<0.000000e+00> : vector<2048x1024xf32>
    %dot_general3A_92 = tpu.matmul %add3A, %get3A_90, %dot_general3A_91 {dimension_numbers = #tpu.dot_dimension_numbers<[1], [1], [0], [0], [0, 0, 1, 0], [], []>, transpose_lhs_hint = false} : vector<2048x256xf32>, vector<1024x256xf32>, vector<2048x1024xf32> -> vector<2048x1024xf32>
    %get3A_93 = arith.constant 0 : index
    %get3A_94 = arith.constant 3072 : index
    %get3A_95 = vector.load %arg5[%get3A_93, %get3A_94] : memref<1x8192xf32, #tpu.memory_space<vmem>>, vector<1x1024xf32>
    %add3A_96 = vector.broadcast %broadcast_in_dim3A : vector<2048x1xf32> to vector<2048x1024xf32>
    %add3A_97 = vector.broadcast %get3A_95 : vector<1x1024xf32> to vector<2048x1024xf32>
    %add3A_98 = arith.addf %add3A_96, %add3A_97 : vector<2048x1024xf32>
    %sub3A_99 = arith.subf %add3A_98, %dot_general3A_92 : vector<2048x1024xf32>
    %reduce_min3A_100 = arith.constant dense<0x7F800000> : vector<2048xf32>
    %reduce_min3A_101 = vector.multi_reduction <minimumf>, %sub3A_99, %reduce_min3A_100 [1] : vector<2048x1024xf32> to vector<2048xf32>
    %broadcast_in_dim3A_102 = vector.shape_cast %reduce_min3A_101 : vector<2048xf32> to vector<2048x1xf32>
    %eq3A_103 = vector.broadcast %broadcast_in_dim3A_102 : vector<2048x1xf32> to vector<2048x1024xf32>
    %eq3A_104 = arith.cmpf oeq, %sub3A_99, %eq3A_103 : vector<2048x1024xf32>
    %get3A_105 = arith.constant 0 : index
    %get3A_106 = arith.constant 3072 : index
    %get3A_107 = vector.load %arg6[%get3A_105, %get3A_106] : memref<1x8192xf32, #tpu.memory_space<vmem>>, vector<1x1024xf32>
    %jit3A_108 = arith.constant 8.192000e+03 : f32
    %broadcast_in_dim3A_109 = vector.shape_cast %get3A_107 : vector<1x1024xf32> to vector<1x1024xf32>
    %broadcast_in_dim3A_110 = vector.broadcast %broadcast_in_dim3A_109 : vector<1x1024xf32> to vector<2048x1024xf32>
    %broadcast_in_dim3A_111 = vector.broadcast %jit3A_108 : f32 to vector<2048x1024xf32>
    %select_n3A_112 = arith.select %eq3A_104, %broadcast_in_dim3A_110, %broadcast_in_dim3A_111 : vector<2048x1024xi1>, vector<2048x1024xf32>
    %reduce_min3A_113 = arith.constant dense<0x7F800000> : vector<2048xf32>
    %reduce_min3A_114 = vector.multi_reduction <minimumf>, %select_n3A_112, %reduce_min3A_113 [1] : vector<2048x1024xf32> to vector<2048xf32>
    %broadcast_in_dim3A_115 = vector.shape_cast %reduce_min3A_114 : vector<2048xf32> to vector<2048x1xf32>
    %lt3A_116 = arith.cmpf olt, %broadcast_in_dim3A_102, %min3A_87 : vector<2048x1xf32>
    %select_n3A_117 = arith.select %lt3A_116, %broadcast_in_dim3A_115, %select_n3A_86 : vector<2048x1xi1>, vector<2048x1xf32>
    %min3A_118 = arith.minimumf %min3A_87, %broadcast_in_dim3A_102 : vector<2048x1xf32>
    %get3A_119 = arith.constant 4096 : index
    %get3A_120 = arith.constant 0 : index
    %get3A_121 = vector.load %arg2[%get3A_119, %get3A_120] : memref<8192x256xf32, #tpu.memory_space<vmem>>, vector<1024x256xf32>
    %dot_general3A_122 = arith.constant dense<0.000000e+00> : vector<2048x1024xf32>
    %dot_general3A_123 = tpu.matmul %add3A, %get3A_121, %dot_general3A_122 {dimension_numbers = #tpu.dot_dimension_numbers<[1], [1], [0], [0], [0, 0, 1, 0], [], []>, transpose_lhs_hint = false} : vector<2048x256xf32>, vector<1024x256xf32>, vector<2048x1024xf32> -> vector<2048x1024xf32>
    %get3A_124 = arith.constant 0 : index
    %get3A_125 = arith.constant 4096 : index
    %get3A_126 = vector.load %arg5[%get3A_124, %get3A_125] : memref<1x8192xf32, #tpu.memory_space<vmem>>, vector<1x1024xf32>
    %add3A_127 = vector.broadcast %broadcast_in_dim3A : vector<2048x1xf32> to vector<2048x1024xf32>
    %add3A_128 = vector.broadcast %get3A_126 : vector<1x1024xf32> to vector<2048x1024xf32>
    %add3A_129 = arith.addf %add3A_127, %add3A_128 : vector<2048x1024xf32>
    %sub3A_130 = arith.subf %add3A_129, %dot_general3A_123 : vector<2048x1024xf32>
    %reduce_min3A_131 = arith.constant dense<0x7F800000> : vector<2048xf32>
    %reduce_min3A_132 = vector.multi_reduction <minimumf>, %sub3A_130, %reduce_min3A_131 [1] : vector<2048x1024xf32> to vector<2048xf32>
    %broadcast_in_dim3A_133 = vector.shape_cast %reduce_min3A_132 : vector<2048xf32> to vector<2048x1xf32>
    %eq3A_134 = vector.broadcast %broadcast_in_dim3A_133 : vector<2048x1xf32> to vector<2048x1024xf32>
    %eq3A_135 = arith.cmpf oeq, %sub3A_130, %eq3A_134 : vector<2048x1024xf32>
    %get3A_136 = arith.constant 0 : index
    %get3A_137 = arith.constant 4096 : index
    %get3A_138 = vector.load %arg6[%get3A_136, %get3A_137] : memref<1x8192xf32, #tpu.memory_space<vmem>>, vector<1x1024xf32>
    %jit3A_139 = arith.constant 8.192000e+03 : f32
    %broadcast_in_dim3A_140 = vector.shape_cast %get3A_138 : vector<1x1024xf32> to vector<1x1024xf32>
    %broadcast_in_dim3A_141 = vector.broadcast %broadcast_in_dim3A_140 : vector<1x1024xf32> to vector<2048x1024xf32>
    %broadcast_in_dim3A_142 = vector.broadcast %jit3A_139 : f32 to vector<2048x1024xf32>
    %select_n3A_143 = arith.select %eq3A_135, %broadcast_in_dim3A_141, %broadcast_in_dim3A_142 : vector<2048x1024xi1>, vector<2048x1024xf32>
    %reduce_min3A_144 = arith.constant dense<0x7F800000> : vector<2048xf32>
    %reduce_min3A_145 = vector.multi_reduction <minimumf>, %select_n3A_143, %reduce_min3A_144 [1] : vector<2048x1024xf32> to vector<2048xf32>
    %broadcast_in_dim3A_146 = vector.shape_cast %reduce_min3A_145 : vector<2048xf32> to vector<2048x1xf32>
    %lt3A_147 = arith.cmpf olt, %broadcast_in_dim3A_133, %min3A_118 : vector<2048x1xf32>
    %select_n3A_148 = arith.select %lt3A_147, %broadcast_in_dim3A_146, %select_n3A_117 : vector<2048x1xi1>, vector<2048x1xf32>
    %min3A_149 = arith.minimumf %min3A_118, %broadcast_in_dim3A_133 : vector<2048x1xf32>
    %get3A_150 = arith.constant 5120 : index
    %get3A_151 = arith.constant 0 : index
    %get3A_152 = vector.load %arg2[%get3A_150, %get3A_151] : memref<8192x256xf32, #tpu.memory_space<vmem>>, vector<1024x256xf32>
    %dot_general3A_153 = arith.constant dense<0.000000e+00> : vector<2048x1024xf32>
    %dot_general3A_154 = tpu.matmul %add3A, %get3A_152, %dot_general3A_153 {dimension_numbers = #tpu.dot_dimension_numbers<[1], [1], [0], [0], [0, 0, 1, 0], [], []>, transpose_lhs_hint = false} : vector<2048x256xf32>, vector<1024x256xf32>, vector<2048x1024xf32> -> vector<2048x1024xf32>
    %get3A_155 = arith.constant 0 : index
    %get3A_156 = arith.constant 5120 : index
    %get3A_157 = vector.load %arg5[%get3A_155, %get3A_156] : memref<1x8192xf32, #tpu.memory_space<vmem>>, vector<1x1024xf32>
    %add3A_158 = vector.broadcast %broadcast_in_dim3A : vector<2048x1xf32> to vector<2048x1024xf32>
    %add3A_159 = vector.broadcast %get3A_157 : vector<1x1024xf32> to vector<2048x1024xf32>
    %add3A_160 = arith.addf %add3A_158, %add3A_159 : vector<2048x1024xf32>
    %sub3A_161 = arith.subf %add3A_160, %dot_general3A_154 : vector<2048x1024xf32>
    %reduce_min3A_162 = arith.constant dense<0x7F800000> : vector<2048xf32>
    %reduce_min3A_163 = vector.multi_reduction <minimumf>, %sub3A_161, %reduce_min3A_162 [1] : vector<2048x1024xf32> to vector<2048xf32>
    %broadcast_in_dim3A_164 = vector.shape_cast %reduce_min3A_163 : vector<2048xf32> to vector<2048x1xf32>
    %eq3A_165 = vector.broadcast %broadcast_in_dim3A_164 : vector<2048x1xf32> to vector<2048x1024xf32>
    %eq3A_166 = arith.cmpf oeq, %sub3A_161, %eq3A_165 : vector<2048x1024xf32>
    %get3A_167 = arith.constant 0 : index
    %get3A_168 = arith.constant 5120 : index
    %get3A_169 = vector.load %arg6[%get3A_167, %get3A_168] : memref<1x8192xf32, #tpu.memory_space<vmem>>, vector<1x1024xf32>
    %jit3A_170 = arith.constant 8.192000e+03 : f32
    %broadcast_in_dim3A_171 = vector.shape_cast %get3A_169 : vector<1x1024xf32> to vector<1x1024xf32>
    %broadcast_in_dim3A_172 = vector.broadcast %broadcast_in_dim3A_171 : vector<1x1024xf32> to vector<2048x1024xf32>
    %broadcast_in_dim3A_173 = vector.broadcast %jit3A_170 : f32 to vector<2048x1024xf32>
    %select_n3A_174 = arith.select %eq3A_166, %broadcast_in_dim3A_172, %broadcast_in_dim3A_173 : vector<2048x1024xi1>, vector<2048x1024xf32>
    %reduce_min3A_175 = arith.constant dense<0x7F800000> : vector<2048xf32>
    %reduce_min3A_176 = vector.multi_reduction <minimumf>, %select_n3A_174, %reduce_min3A_175 [1] : vector<2048x1024xf32> to vector<2048xf32>
    %broadcast_in_dim3A_177 = vector.shape_cast %reduce_min3A_176 : vector<2048xf32> to vector<2048x1xf32>
    %lt3A_178 = arith.cmpf olt, %broadcast_in_dim3A_164, %min3A_149 : vector<2048x1xf32>
    %select_n3A_179 = arith.select %lt3A_178, %broadcast_in_dim3A_177, %select_n3A_148 : vector<2048x1xi1>, vector<2048x1xf32>
    %min3A_180 = arith.minimumf %min3A_149, %broadcast_in_dim3A_164 : vector<2048x1xf32>
    %get3A_181 = arith.constant 6144 : index
    %get3A_182 = arith.constant 0 : index
    %get3A_183 = vector.load %arg2[%get3A_181, %get3A_182] : memref<8192x256xf32, #tpu.memory_space<vmem>>, vector<1024x256xf32>
    %dot_general3A_184 = arith.constant dense<0.000000e+00> : vector<2048x1024xf32>
    %dot_general3A_185 = tpu.matmul %add3A, %get3A_183, %dot_general3A_184 {dimension_numbers = #tpu.dot_dimension_numbers<[1], [1], [0], [0], [0, 0, 1, 0], [], []>, transpose_lhs_hint = false} : vector<2048x256xf32>, vector<1024x256xf32>, vector<2048x1024xf32> -> vector<2048x1024xf32>
    %get3A_186 = arith.constant 0 : index
    %get3A_187 = arith.constant 6144 : index
    %get3A_188 = vector.load %arg5[%get3A_186, %get3A_187] : memref<1x8192xf32, #tpu.memory_space<vmem>>, vector<1x1024xf32>
    %add3A_189 = vector.broadcast %broadcast_in_dim3A : vector<2048x1xf32> to vector<2048x1024xf32>
    %add3A_190 = vector.broadcast %get3A_188 : vector<1x1024xf32> to vector<2048x1024xf32>
    %add3A_191 = arith.addf %add3A_189, %add3A_190 : vector<2048x1024xf32>
    %sub3A_192 = arith.subf %add3A_191, %dot_general3A_185 : vector<2048x1024xf32>
    %reduce_min3A_193 = arith.constant dense<0x7F800000> : vector<2048xf32>
    %reduce_min3A_194 = vector.multi_reduction <minimumf>, %sub3A_192, %reduce_min3A_193 [1] : vector<2048x1024xf32> to vector<2048xf32>
    %broadcast_in_dim3A_195 = vector.shape_cast %reduce_min3A_194 : vector<2048xf32> to vector<2048x1xf32>
    %eq3A_196 = vector.broadcast %broadcast_in_dim3A_195 : vector<2048x1xf32> to vector<2048x1024xf32>
    %eq3A_197 = arith.cmpf oeq, %sub3A_192, %eq3A_196 : vector<2048x1024xf32>
    %get3A_198 = arith.constant 0 : index
    %get3A_199 = arith.constant 6144 : index
    %get3A_200 = vector.load %arg6[%get3A_198, %get3A_199] : memref<1x8192xf32, #tpu.memory_space<vmem>>, vector<1x1024xf32>
    %jit3A_201 = arith.constant 8.192000e+03 : f32
    %broadcast_in_dim3A_202 = vector.shape_cast %get3A_200 : vector<1x1024xf32> to vector<1x1024xf32>
    %broadcast_in_dim3A_203 = vector.broadcast %broadcast_in_dim3A_202 : vector<1x1024xf32> to vector<2048x1024xf32>
    %broadcast_in_dim3A_204 = vector.broadcast %jit3A_201 : f32 to vector<2048x1024xf32>
    %select_n3A_205 = arith.select %eq3A_197, %broadcast_in_dim3A_203, %broadcast_in_dim3A_204 : vector<2048x1024xi1>, vector<2048x1024xf32>
    %reduce_min3A_206 = arith.constant dense<0x7F800000> : vector<2048xf32>
    %reduce_min3A_207 = vector.multi_reduction <minimumf>, %select_n3A_205, %reduce_min3A_206 [1] : vector<2048x1024xf32> to vector<2048xf32>
    %broadcast_in_dim3A_208 = vector.shape_cast %reduce_min3A_207 : vector<2048xf32> to vector<2048x1xf32>
    %lt3A_209 = arith.cmpf olt, %broadcast_in_dim3A_195, %min3A_180 : vector<2048x1xf32>
    %select_n3A_210 = arith.select %lt3A_209, %broadcast_in_dim3A_208, %select_n3A_179 : vector<2048x1xi1>, vector<2048x1xf32>
    %min3A_211 = arith.minimumf %min3A_180, %broadcast_in_dim3A_195 : vector<2048x1xf32>
    %get3A_212 = arith.constant 7168 : index
    %get3A_213 = arith.constant 0 : index
    %get3A_214 = vector.load %arg2[%get3A_212, %get3A_213] : memref<8192x256xf32, #tpu.memory_space<vmem>>, vector<1024x256xf32>
    %dot_general3A_215 = arith.constant dense<0.000000e+00> : vector<2048x1024xf32>
    %dot_general3A_216 = tpu.matmul %add3A, %get3A_214, %dot_general3A_215 {dimension_numbers = #tpu.dot_dimension_numbers<[1], [1], [0], [0], [0, 0, 1, 0], [], []>, transpose_lhs_hint = false} : vector<2048x256xf32>, vector<1024x256xf32>, vector<2048x1024xf32> -> vector<2048x1024xf32>
    %get3A_217 = arith.constant 0 : index
    %get3A_218 = arith.constant 7168 : index
    %get3A_219 = vector.load %arg5[%get3A_217, %get3A_218] : memref<1x8192xf32, #tpu.memory_space<vmem>>, vector<1x1024xf32>
    %add3A_220 = vector.broadcast %broadcast_in_dim3A : vector<2048x1xf32> to vector<2048x1024xf32>
    %add3A_221 = vector.broadcast %get3A_219 : vector<1x1024xf32> to vector<2048x1024xf32>
    %add3A_222 = arith.addf %add3A_220, %add3A_221 : vector<2048x1024xf32>
    %sub3A_223 = arith.subf %add3A_222, %dot_general3A_216 : vector<2048x1024xf32>
    %reduce_min3A_224 = arith.constant dense<0x7F800000> : vector<2048xf32>
    %reduce_min3A_225 = vector.multi_reduction <minimumf>, %sub3A_223, %reduce_min3A_224 [1] : vector<2048x1024xf32> to vector<2048xf32>
    %broadcast_in_dim3A_226 = vector.shape_cast %reduce_min3A_225 : vector<2048xf32> to vector<2048x1xf32>
    %eq3A_227 = vector.broadcast %broadcast_in_dim3A_226 : vector<2048x1xf32> to vector<2048x1024xf32>
    %eq3A_228 = arith.cmpf oeq, %sub3A_223, %eq3A_227 : vector<2048x1024xf32>
    %get3A_229 = arith.constant 0 : index
    %get3A_230 = arith.constant 7168 : index
    %get3A_231 = vector.load %arg6[%get3A_229, %get3A_230] : memref<1x8192xf32, #tpu.memory_space<vmem>>, vector<1x1024xf32>
    %jit3A_232 = arith.constant 8.192000e+03 : f32
    %broadcast_in_dim3A_233 = vector.shape_cast %get3A_231 : vector<1x1024xf32> to vector<1x1024xf32>
    %broadcast_in_dim3A_234 = vector.broadcast %broadcast_in_dim3A_233 : vector<1x1024xf32> to vector<2048x1024xf32>
    %broadcast_in_dim3A_235 = vector.broadcast %jit3A_232 : f32 to vector<2048x1024xf32>
    %select_n3A_236 = arith.select %eq3A_228, %broadcast_in_dim3A_234, %broadcast_in_dim3A_235 : vector<2048x1024xi1>, vector<2048x1024xf32>
    %reduce_min3A_237 = arith.constant dense<0x7F800000> : vector<2048xf32>
    %reduce_min3A_238 = vector.multi_reduction <minimumf>, %select_n3A_236, %reduce_min3A_237 [1] : vector<2048x1024xf32> to vector<2048xf32>
    %broadcast_in_dim3A_239 = vector.shape_cast %reduce_min3A_238 : vector<2048xf32> to vector<2048x1xf32>
    %lt3A_240 = arith.cmpf olt, %broadcast_in_dim3A_226, %min3A_211 : vector<2048x1xf32>
    %select_n3A_241 = arith.select %lt3A_240, %broadcast_in_dim3A_239, %select_n3A_210 : vector<2048x1xi1>, vector<2048x1xf32>
    %min3A_242 = arith.minimumf %min3A_211, %broadcast_in_dim3A_226 : vector<2048x1xf32>
    %squeeze3A = vector.shape_cast %select_n3A_241 : vector<2048x1xf32> to vector<2048xf32>
    %convert_element_type3A_243 = arith.fptosi %squeeze3A : vector<2048xf32> to vector<2048xi32>
    %reshape3A = vector.shape_cast %convert_element_type3A_243 : vector<2048xi32> to vector<16x128xi32>
    %swap3A = arith.constant 0 : index
    %swap3A_244 = arith.constant 0 : index
    %swap3A_245 = vector.load %arg3[%swap3A, %swap3A_244] : memref<16x128xi32, #tpu.memory_space<vmem>>, vector<16x128xi32>
    tpu.vector_store %arg3[%swap3A, %swap3A_244], %reshape3A {strides = array<i32>} : memref<16x128xi32, #tpu.memory_space<vmem>>, vector<16x128xi32>,
    %get3A_246 = arith.constant 0 : index
    %get3A_247 = arith.constant 0 : index
    %get3A_248 = memref.load %arg4[%get3A_246, %get3A_247] : memref<1x1xf32, #tpu.memory_space<smem>>
    %reduce_sum3A_249 = vector.shape_cast %min3A_242 : vector<2048x1xf32> to vector<1x2048x1xf32>
    %reduce_sum3A_250 = arith.constant dense<0.000000e+00> : vector<1xf32>
    %reduce_sum3A_251 = vector.multi_reduction <add>, %reduce_sum3A_249, %reduce_sum3A_250 [1, 2] : vector<1x2048x1xf32> to vector<1xf32>
    %reduce_sum3A_252 = vector.shape_cast %reduce_sum3A_251 : vector<1xf32> to vector<1x1x1xf32>
    %reduce_sum3A_253 = vector.extract %reduce_sum3A_252[0, 0, 0] : f32 from vector<1x1x1xf32>
    %add3A_254 = arith.addf %get3A_248, %reduce_sum3A_253 : f32
    %swap3A_255 = arith.constant 0 : index
    %swap3A_256 = arith.constant 0 : index
    %swap3A_257 = memref.load %arg4[%swap3A_255, %swap3A_256] : memref<1x1xf32, #tpu.memory_space<smem>>
    memref.store %add3A_254, %arg4[%swap3A_255, %swap3A_256] : memref<1x1xf32, #tpu.memory_space<smem>>
    %eq3A_258 = arith.constant 3 : i32
    %eq3A_259 = arith.cmpi eq, %arg0, %eq3A_258 : i32
    %convert_element_type3A_260 = arith.extui %eq3A_259 : i1 to i32
    %cond3A_261 = arith.constant 0 : i32
    %cond3A_262 = arith.cmpi ne, %convert_element_type3A_260, %cond3A_261 : i32
    scf.if %cond3A_262 {
      %get3A_263 = arith.constant 0 : index
      %get3A_264 = arith.constant 0 : index
      %get3A_265 = memref.load %arg4[%get3A_263, %get3A_264] : memref<1x1xf32, #tpu.memory_space<smem>>
      %mul3A_266 = arith.constant 5.96046448E-7 : f32
      %mul3A_267 = arith.mulf %get3A_265, %mul3A_266 : f32
      %swap3A_268 = arith.constant 0 : index
      %swap3A_269 = arith.constant 0 : index
      %swap3A_270 = memref.load %arg4[%swap3A_268, %swap3A_269] : memref<1x1xf32, #tpu.memory_space<smem>>
      memref.store %mul3A_267, %arg4[%swap3A_268, %swap3A_269] : memref<1x1xf32, #tpu.memory_space<smem>>
    } else {
    }
    return
  }
  func.func @transform_0(%arg0: i32) -> (i32, i32) {
    %c0_i32 = arith.constant 0 : i32
    %c0_i32_0 = arith.constant 0 : i32
    return %arg0, %c0_i32 : i32, i32
  }
  func.func @transform_1(%arg0: i32) -> (i32, i32) {
    %c0_i32 = arith.constant 0 : i32
    %c0_i32_0 = arith.constant 0 : i32
    %c0_i32_1 = arith.constant 0 : i32
    return %c0_i32, %c0_i32_0 : i32, i32
  }
  func.func @transform_2(%arg0: i32) -> (i32, i32) {
    %c0_i32 = arith.constant 0 : i32
    %c0_i32_0 = arith.constant 0 : i32
    return %arg0, %c0_i32 : i32, i32
  }
  func.func @transform_3(%arg0: i32) -> (i32, i32) {
    %c0_i32 = arith.constant 0 : i32
    %c0_i32_0 = arith.constant 0 : i32
    %c0_i32_1 = arith.constant 0 : i32
    return %c0_i32, %c0_i32_0 : i32, i32
  }
}

</mosaic_0001>

<sc_bundles>
// kernel: kernel.4.cloned.1.call-start
scs
__scs_entry_jumppad:
0x0: {  	(pc) =	sbr.rel $0x88, $3  }
0x1: {  	(tag) =	ssettag $0x0;
	lr =	simm.s32 $0x1  }
0x2: {  	[smem:$0x3F9F] =	sst lr;
	_ =	strace $0xD0000000  }
0x3: {  	_ = 	snop  }
0x4: {  	_ = 	snop  }
0x5: {  	_ = 	snop  }
0x6: {  	_ = 	snop  }
0x7: {  	_ = 	snop  }
__scs_overlays_trampoline_lowered:
0x8: {  	[smem:$0x3FAE] =	sst s0  }
0x9: {  	[smem:$0x3FAF] =	sst s1  }
0xa: {  	[smem:$0x3FB0] =	sst s2  }
0xb: {  	[smem:$0x3FB1] =	sst s3  }
0xc: {  	[smem:$0x3FB2] =	sst s4  }
0xd: {  	[smem:$0x3FB3] =	sst s5  }
0xe: {  	[smem:$0x3FB4] =	sst s6  }
0xf: {  	[smem:$0x3FB5] =	sst s7  }
0x10: {  	[smem:$0x3FB6] =	sst s8  }
0x11: {  	[smem:$0x3FB7] =	sst s9;
	s0 =	simm.s32 @!p0 $0x0  }
0x12: {  	s1 =	sld [smem:$0x3F9D];
	s0 =	simm.s32 @p0 $0x1  }
0x13: {  	[smem:$0x3FB8] =	sst s0;
	s0 =	simm.s32 @!p1 $0x0  }
0x14: {  	s2 =	sld [smem:$0x3F9C];
	s0 =	simm.s32 @p1 $0x1  }
0x15: {  	[smem:$0x3FB9] =	sst s0;
	s0 =	simm.s32 @!p2 $0x0  }
0x16: {  	s3 =	sld [smem:$0x3FDB];
	s0 =	simm.s32 @p2 $0x1  }
0x17: {  	s4 =	simm.s32 $0x1BF5;
	[smem:$0x3FBB] =	sst s0  }
0x18: {  	s0 =	sld [smem:$0x3F9E];
	_ =	swait.ge [sflag:s4], $0x0  }
0x19: {  	s7 =	sld [smem:$0x3F9F]  }
0x1a: {  	s8 =	sadd.s32 $0xFFFFE003, lr  }
0x1b: {  	s9 =	sadd.s32 $0xFFFFFEF7, lr;
	s5 =	simm.s32 $0xFFFFFFFF;
	p2 =	slt.u32 s8, $0xFFFFF086  }
0x1c: {  	p1 =	slt.u32 s9, $0xF7A;
	s5 =	simm.s32 @!p2 $0x0  }
0x1d: {  	s5 =	simm.s32 @p1 $0x1;
	p0 =	seq.s32 s7, s2  }
0x1e: {  	s7 =	smul.u32 @!p0 $0xF7A, s2;
	p2 =	seq.s32 @!p0 s5, $0x0  }
0x1f: {  	s9 =	smul.u32 $0xF7A, s1;
	s8 =	simm.s32 @!p0 $0x1BF5;
	p2 =	por !p2, p0  }
0x20: {  	[sflag:s8] =	ssyncset.s32 @!p0 $0xFFFFF086;
	s6 =	sadd.s32 @!p0 s3, s7;
	s7 =	simm.s32 @!p0 $0x108  }
0x21: {  	s3 =	sadd.s32 s3, s9;
	s6 =	sadd.s32 @!p0 $0x88, s6;
	s7 =	simm.s32 @p2 $0x1082  }
0x22: {  	[simem:s7], [sflag:s8] =	dma.local @!p0 [hbm:s6], $0xF7A  }
0x23: {  	s9 =	sor.u32 $0xD0000000, s2;
	s6 =	simm.s32 $0x108;
	_ =	swait.ge @!p0 [sflag:s8], $0x0  }
0x24: {  	s3 =	sadd.s32 $0x88, s3;
	s6 =	simm.s32 @!p1 $0x1082;
	[sflag:s4] =	ssyncset.s32 $0xFFFFF086  }
0x25: {  	[simem:s6], [sflag:s4] =	dma.local [hbm:s3], $0xF7A  }
0x26: {  	[smem:$0x3F9F] =	sst s1;
	(tag) =	ssettag s2;
	_ =	strace s9  }
0x27: {  	s1 =	sld [smem:$0x3FAF]  }
0x28: {  	s2 =	sld [smem:$0x3FB0]  }
0x29: {  	s4 =	sld [smem:$0x3FB2]  }
0x2a: {  	p0 =	seq.s32 s5, $0x0;
	s5 =	sld [smem:$0x3FB3]  }
0x2b: {  	s6 =	sld [smem:$0x3FB4]  }
0x2c: {  	s7 =	sld [smem:$0x3FB5]  }
0x2d: {  	s3 =	simm.s32 $0x108;
	s8 =	sld [smem:$0x3FB6]  }
0x2e: {  	s3 =	simm.s32 @!p0 $0x1082;
	s9 =	sld [smem:$0x3FB7]  }
0x2f: {  	lr =	sadd.s32 s0, s3;
	s0 =	sld [smem:$0x3FAE]  }
0x30: {  	s3 =	sld [smem:$0x3FB1]  }
0x31: {  	[smem:$0x3FBA] =	sst s10  }
0x32: {  	s10 =	sld [smem:$0x3FB8];
	_ =	sdelay $0x3  }
0x33: {  	p0 =	seq.s32 s10, $0x1;
	s10 =	sld [smem:$0x3FBA];
	_ =	sdelay $0x3  }
0x34: {  	[smem:$0x3FBA] =	sst s10  }
0x35: {  	s10 =	sld [smem:$0x3FB9];
	_ =	sdelay $0x3  }
0x36: {  	p1 =	seq.s32 s10, $0x1;
	s10 =	sld [smem:$0x3FBA];
	_ =	sdelay $0x3  }
0x37: {  	[smem:$0x3FBA] =	sst s10  }
0x38: {  	s10 =	sld [smem:$0x3FBB]  }
0x39: {  	_ = 	snop;
	(pc) =	sbr.ind lr, $3  }
0x3a: {  	_ = 	snop  }
0x3b: {  	_ = 	snop  }
0x3c: {  	p2 =	seq.s32 s10, $0x1;
	s10 =	sld [smem:$0x3FBA]  }
0x3d: {  	_ =	shalt  }
0x3e: {  	_ =	shalt  }
0x3f: {  	_ =	shalt  }
0x40: {  	_ =	shalt  }
0x41: {  	_ =	shalt  }
0x42: {  	_ =	shalt  }
0x43: {  	_ =	shalt  }
0x44: {  	_ =	shalt  }
0x45: {  	_ =	shalt  }
0x46: {  	_ =	shalt  }
0x47: {  	_ =	shalt  }
0x48: {  	_ =	shalt  }
0x49: {  	_ =	shalt  }
0x4a: {  	_ =	shalt  }
0x4b: {  	_ =	shalt  }
0x4c: {  	_ =	shalt  }
0x4d: {  	_ =	shalt  }
0x4e: {  	_ =	shalt  }
0x4f: {  	_ =	shalt  }
0x50: {  	_ =	shalt  }
0x51: {  	_ =	shalt  }
0x52: {  	_ =	shalt  }
0x53: {  	_ =	shalt  }
0x54: {  	_ =	shalt  }
0x55: {  	_ =	shalt  }
0x56: {  	_ =	shalt  }
0x57: {  	_ =	shalt  }
0x58: {  	_ =	shalt  }
0x59: {  	_ =	shalt  }
0x5a: {  	_ =	shalt  }
0x5b: {  	_ =	shalt  }
0x5c: {  	_ =	shalt  }
0x5d: {  	_ =	shalt  }
0x5e: {  	_ =	shalt  }
0x5f: {  	_ =	shalt  }
0x60: {  	_ =	shalt  }
0x61: {  	_ =	shalt  }
0x62: {  	_ =	shalt  }
0x63: {  	_ =	shalt  }
0x64: {  	_ =	shalt  }
0x65: {  	_ =	shalt  }
0x66: {  	_ =	shalt  }
0x67: {  	_ =	shalt  }
0x68: {  	_ =	shalt  }
0x69: {  	_ =	shalt  }
0x6a: {  	_ =	shalt  }
0x6b: {  	_ =	shalt  }
0x6c: {  	_ =	shalt  }
0x6d: {  	_ =	shalt  }
0x6e: {  	_ =	shalt  }
0x6f: {  	_ =	shalt  }
0x70: {  	_ =	shalt  }
0x71: {  	_ =	shalt  }
0x72: {  	_ =	shalt  }
0x73: {  	_ =	shalt  }
0x74: {  	_ =	shalt  }
0x75: {  	_ =	shalt  }
0x76: {  	_ =	shalt  }
0x77: {  	_ =	shalt  }
0x78: {  	_ =	shalt  }
0x79: {  	_ =	shalt  }
0x7a: {  	_ =	shalt  }
0x7b: {  	_ =	shalt  }
0x7c: {  	_ =	shalt  }
0x7d: {  	_ =	shalt  }
0x7e: {  	_ =	shalt  }
0x7f: {  	_ =	shalt  }
0x80: {  	_ =	shalt  }
0x81: {  	_ =	shalt  }
0x82: {  	_ =	shalt  }
0x83: {  	_ =	shalt  }
0x84: {  	_ =	shalt  }
0x85: {  	_ =	shalt  }
0x86: {  	_ =	shalt  }
0x87: {  	_ =	shalt  }
.Lfunc_end0:
.L_simem_size_0:
called_computation_lowered:
.L_overlay_start_0:
0x88: {  	s2 =	sld [smem:$0x3FD9]  }
0x89: {  	s3 =	sld [smem:$0x3FFE];
	_ =	sdelay $0x1  }
0x8a: {  	s1 =	srdreg.scid  }
0x8b: {  	s0 =	sand.u32 $0x1, s1  }
0x8c: {  	s15 =	sshll.u32 s0, $0xA;
	s2 =	sadd.s32 s3, s2  }
0x8d: {  	s2 =	sadd.s32 s2, s15  }
0x8e: {  	[smem:$0x3FC6] =	sst s2  }
0x8f: {  	_ = 	snop  }
0x90: {  	s2 =	sld [smem:$0x3FD0];
	_ =	sdelay $0x2  }
0x91: {  	s4 =	simm.s32 $0xA;
	s5 =	simm.s32 $0x10;
	s16 =	sld [smem:$0x3FC8]  }
0x92: {  	[smem:s5], [sflag:s4] =	dma.local [hbm:s2], $0x1  }
0x93: {  	_ =	swait.eq [sflag:s4], $0x1  }
0x94: {  	[sflag:s4] =	ssyncset.done $0x0  }
0x95: {  	s17 =	sld [smem:$0x10];
	[sflag:s4] =	ssyncadd.s32 $0xFFFFFFFF  }
0x96: {  	s18 =	sld [smem:$0x12];
	(tm) =	ssettm $0x1  }
0x97: {  	s19 =	sld [smem:$0x3FFB];
	_ =	sdelay $0x3  }
0x98: {  	_ =	strace s19  }
0x99: {  	s5 =	sld [smem:$0x3FFC];
	_ =	sdelay $0x3  }
0x9a: {  	_ =	strace s5  }
0x9b: {  	s5 =	sld [smem:$0x3FFD];
	_ =	sdelay $0x3  }
0x9c: {  	_ =	strace s5  }
0x9d: {  	_ =	strace $0x8FFFFFFF  }
0x9e: {  	s20 =	sld [smem:$0x3FDB];
	_ =	sdelay $0x1  }
0x9f: {  	s6 =	simm.s32 $_scs_section_size  }
0xa0: {  	s7 =	simm.s32 $_size__tile_overlayer_lowered;
	s8 =	simm.s32 $_tile_overlayer_lowered  }
0xa1: {  	s23 =	simm.s32 $0x1BFF;
	s22 =	sshll.u32 s8, $0x1;
	s5 =	sadd.s32 s6, s20  }
0xa2: {  	s9 =	simm.s32 $0x0;
	s21 =	sshll.u32 s7, $0x1;
	s7 =	sadd.s32 s22, s5  }
0xa3: {  	[timem:s9], [sflag:s23] =	dma.local [hbm:s7], s21  }
0xa4: {  	_ =	swait.ge [sflag:s23], s21  }
0xa5: {  	s6 =	ssub.s32 $0x0, s21;
	[sflag:s23] =	ssyncset.done $0x0  }
0xa6: {  	[sflag:s23] =	ssyncadd.s32 s6;
	_ =	sdelay $0x1  }
0xa7: {  	s24 =	simm.s32 $0x1B8B  }
0xa8: {  	_ =	swait.ge [sflag:s24], $0x1  }
0xa9: {  	[sflag:s24] =	ssyncset.done $0x0  }
0xaa: {  	s25 =	simm.s32 $0x1B8E;
	[sflag:s24] =	ssyncadd.s32 $0xFFFFFFFF  }
0xab: {  	s26 =	simm.s32 $execute0_lowered;
	[smem:$0x3FD2] =	sst s25  }
0xac: {  	s6 =	sshll.u32 s26, $0x1;
	_ =	strace $0x80000046;
	[dreg:$0x1] =	wrdreg $0xFFFFFFFF  }
0xad: {  	s28 =	simm.s32 $_size_execute0_lowered;
	s5 =	sadd.s32 s5, s6;
	[dreg:$0x0] =	wrdreg $0x0  }
0xae: {  	s6 =	sshll.u32 s28, $0x1;
	[dreg:$0x2] =	wrdreg s5  }
0xaf: {  	[dreg:$0x3] =	wrdreg s6  }
0xb0: {  	[dreg:$0x4] =	wrdreg $0xC0  }
0xb1: {  	_ =	task [dreg:s9], $0x5FFFF  }
0xb2: {  	[dreg:$0x1] =	wrdreg $0xFFFFFFFF  }
0xb3: {  	[dreg:$0x0] =	wrdreg $0x60  }
0xb4: {  	[dreg:$0x2] =	wrdreg s16  }
0xb5: {  	[dreg:$0x3] =	wrdreg s18  }
0xb6: {  	[dreg:$0x4] =	wrdreg s17  }
0xb7: {  	[dreg:$0x5] =	wrdreg $0x9  }
0xb8: {  	_ =	task.clear_ibuf [dreg:s9], $0x6FFFF;
	_ =	strace $0x90000046  }
0xb9: {  	s29 =	simm.s32 $0x9;
	_ =	strace $0x80000048  }
0xba: {  	_ =	swait.ge [sflag:s29], $0x1  }
0xbb: {  	[sflag:s29] =	ssyncadd.s32 $0xFFFFFFFF  }
0xbc: {  	_ =	strace $0x90000048  }
0xbd: {  	_ =	sfence  }
0xbe: {  	s30 =	sld [smem:$0x0];
	_ =	sdelay $0x2  }
0xbf: {  	s31 =	sshll.u32 s1, $0xD;
	s1 =	sshrl.u32 s1, $0x2  }
0xc0: {  	s3 =	sand.u32 $0x4000, s31;
	s1 =	sadd.s32 s1, s30  }
0xc1: {  	s0 =	sor.u32 s3, s0;
	s1 =	sshll.u32 s1, $0x11  }
0xc2: {  	s0 =	sor.u32 s1, s0  }
0xc3: {  	s0 =	sadd.s32 $0x8F2B, s0  }
0xc4: {  	[sflag:s0] =	ssyncadd.remote.s32 $0x1  }
0xc5: {  	_ =	sfence.sel $0xFFFF  }
0xc6: {  	[dreg:$0x0] =	wrdreg $0xFFFFFFFF;
	(pc) =	sbr.abs _section_cstart, $3  }
0xc7: {  	[dreg:$0x1] =	wrdreg $0xFFFFFFFF  }
0xc8: {  	_ =	task.clear_ibuf [dreg:s9], $0x2FFFF;
	_ =	strace $0x9FFFFFFF  }
0xc9: {  	(tm) =	ssettm $0x7FFFFFFF  }
tec
execute0_lowered:
.L_overlay_start_1:
0x0: {  	(tag) =	ssettag $0x1  }
0x1: {  	s1 =	rddreg [dreg:$0x0]  }
0x2: {  	s2 =	rddreg [dreg:$0x1]  }
0x3: {  	s3 =	srdreg.scid;
	s0 =	stileid.u32  }
0x4: {  	s4 =	rddreg [dreg:$0x2];
	s19 =	simm.s32 $0x900;
	s20 =	simm.s32 $0x1100  }
0x5: {  	s22 =	simm.s32 $0x1900;
	s23 =	simm.s32 $0x2100;
	s24 =	simm.s32 $0x2900  }
0x6: {  	s25 =	simm.s32 $0x3100;
	s26 =	simm.s32 $0x3900;
	s8 =	simm.s32 $0x4900  }
0x7: {  	s9 =	simm.s32 $0x5100;
	s10 =	simm.s32 $0x5900;
	s11 =	simm.s32 $0x6100  }
0x8: {  	s12 =	simm.s32 $0x6900;
	s5 =	sand.u32 $0x1, s3;
	s3 =	simm.s32 $0x0  }
0x9: {  	s13 =	simm.s32 $0x7100;
	s14 =	simm.s32 $0x7900;
	[smem:$0x7FF] =	sst s3  }
0xa: {  	s15 =	simm.s32 $0x8100;
	_ =	strace $0x80000047;
	[dreg:$0x6] =	wrdreg s19  }
0xb: {  	s16 =	simm.s32 $0x8900;
	s17 =	simm.s32 $0x9100;
	[dreg:$0x7] =	wrdreg s20  }
0xc: {  	s28 =	simm.s32 $0xE100;
	s29 =	simm.s32 $0xE900;
	[dreg:$0x8] =	wrdreg s22  }
0xd: {  	s30 =	simm.s32 $0xF100;
	s6 =	sshll.u32 s0, $0x1;
	[dreg:$0x9] =	wrdreg s23  }
0xe: {  	s31 =	simm.s32 $0xF900;
	s6 =	sor.u32 s5, s6;
	[dreg:$0xa] =	wrdreg s24  }
0xf: {  	s21 =	ssub.s32 $0x2, s5;
	s7 =	sshll.u32 s6, $0x5;
	[dreg:$0xb] =	wrdreg s25  }
0x10: {  	s6 =	sshll.u32 s6, $0xD;
	s5 =	sshrl.u32 s21, $0x1;
	[dreg:$0xc] =	wrdreg s26  }
0x11: {  	s19 =	simm.s32 $0xA100;
	s20 =	simm.s32 $0xA900;
	s22 =	simm.s32 $0xB900  }
0x12: {  	s23 =	simm.s32 $0xC100;
	s24 =	simm.s32 $0xC900;
	s25 =	simm.s32 $0xD100  }
0x13: {  	s26 =	simm.s32 $0xD900;
	s2 =	sadd.s32 s2, s7;
	s18 =	sadd.s32 s4, s6  }
0x14: {  	v2 =	vlaneseq.u32;
	s4 =	ssub.s32 s21, s5;
	s5 =	simm.s32 $0x2;
	[dreg:$0x4] =	wrdreg s2  }
0x15: {  	vm0 =	vmmov $0xffff;
	v1 =	vshrl.u32 v2, $0x3;
	s6 =	simm.s32 $0x100;
	s21 =	simm.s32 $0xB100;
	[dreg:$0x5] =	wrdreg s18  }
0x16: {  	v0 =	vand.u32 $0x7, v2;
	v2 =	vor.u32 $0x8, v2;
	v1 =	vmul.u32 $0x8, v1;
	s4 =	smax.u32 s4, $0x1;
	s18 =	simm.s32 $0x9900;
	s2 =	simm.s32 $0x1  }
.LBB2_1:
0x17: {  	s0 =	rddreg [dreg:$0x4]  }
0x18: {  	[tilespmem:s3], [sflag:$0x2] =	stream.linear.gather [hbm4b:s0+s3], $0x100, $0x38;
	[tilespmem:$0x10100] =	vst v63  }
0x19: {  	_ =	swait.ge [sflag:s5], $0x100  }
0x1a: {  	[sflag:s5] =	ssyncset.done $0x0  }
0x1b: {  	[sflag:s5] =	ssyncadd.s32 $0xFFFFFF00  }
0x1c: {  	v3 =	vld [tilespmem:$0x0];
	_ =	sdelay $0x4  }
0x1d: {  	v4 =	vshll.u32 v3, $0x1  }
0x1e: {  	v3 =	vand.u32 $0x7, v3;
	v4 =	vand.u32 $0xFFFFFFF0, v4  }
0x1f: {  	v3 =	vor.u32 v3, v4  }
0x20: {  	v4 =	vperm.xlane v3, v0;
	_ =	sdelay $0x1  }
0x21: {  	v3 =	vperm.xlane v3, v2;
	v4 =	vadd.s32 v1, v4;
	_ =	sdelay $0x1  }
0x22: {  	v3 =	vadd.s32 v1, v3;
	_ =	sdelay $0x2  }
0x23: {  	[tilespmem:s6], [sflag:$0x1] =	stream.indirect_vreg.gather [hbm4b:s1+s3], $0x80, v4, vm0, $0xb8;
	[tilespmem:$0x10100] =	vst v63  }
0x24: {  	s7 =	rddreg [dreg:$0x6]  }
0x25: {  	[tilespmem:s7], [sflag:$0x1] =	stream.indirect_vreg.gather [hbm4b:s1+s3], $0x80, v3, vm0, $0xb8;
	[tilespmem:$0x10100] =	vst v63  }
0x26: {  	v3 =	vld [tilespmem:$0x10];
	_ =	sdelay $0x4  }
0x27: {  	v49 =	vshll.u32 v3, $0x1  }
0x28: {  	v3 =	vand.u32 $0x7, v3;
	v4 =	vand.u32 $0xFFFFFFF0, v49  }
0x29: {  	v3 =	vor.u32 v3, v4  }
0x2a: {  	v4 =	vperm.xlane v3, v0;
	_ =	sdelay $0x1  }
0x2b: {  	v3 =	vperm.xlane v3, v2;
	v4 =	vadd.s32 v1, v4;
	_ =	sdelay $0x1  }
0x2c: {  	v3 =	vadd.s32 v1, v3;
	_ =	sdelay $0x1  }
0x2d: {  	s0 =	rddreg [dreg:$0x7]  }
0x2e: {  	[tilespmem:s0], [sflag:$0x1] =	stream.indirect_vreg.gather [hbm4b:s1+s3], $0x80, v4, vm0, $0xb8;
	[tilespmem:$0x10100] =	vst v63  }
0x2f: {  	s7 =	rddreg [dreg:$0x8]  }
0x30: {  	[tilespmem:s7], [sflag:$0x1] =	stream.indirect_vreg.gather [hbm4b:s1+s3], $0x80, v3, vm0, $0xb8;
	[tilespmem:$0x10100] =	vst v63  }
0x31: {  	v3 =	vld [tilespmem:$0x20];
	_ =	sdelay $0x4  }
0x32: {  	v50 =	vshll.u32 v3, $0x1  }
0x33: {  	v3 =	vand.u32 $0x7, v3;
	v4 =	vand.u32 $0xFFFFFFF0, v50  }
0x34: {  	v3 =	vor.u32 v3, v4  }
0x35: {  	v4 =	vperm.xlane v3, v0;
	_ =	sdelay $0x1  }
0x36: {  	v3 =	vperm.xlane v3, v2;
	v4 =	vadd.s32 v1, v4;
	_ =	sdelay $0x1  }
0x37: {  	v3 =	vadd.s32 v1, v3;
	_ =	sdelay $0x1  }
0x38: {  	s0 =	rddreg [dreg:$0x9]  }
0x39: {  	[tilespmem:s0], [sflag:$0x1] =	stream.indirect_vreg.gather [hbm4b:s1+s3], $0x80, v4, vm0, $0xb8;
	[tilespmem:$0x10100] =	vst v63  }
0x3a: {  	s7 =	rddreg [dreg:$0xa]  }
0x3b: {  	[tilespmem:s7], [sflag:$0x1] =	stream.indirect_vreg.gather [hbm4b:s1+s3], $0x80, v3, vm0, $0xb8;
	[tilespmem:$0x10100] =	vst v63  }
0x3c: {  	v3 =	vld [tilespmem:$0x30];
	_ =	sdelay $0x4  }
0x3d: {  	v51 =	vshll.u32 v3, $0x1  }
0x3e: {  	v3 =	vand.u32 $0x7, v3;
	v4 =	vand.u32 $0xFFFFFFF0, v51  }
0x3f: {  	v3 =	vor.u32 v3, v4  }
0x40: {  	v4 =	vperm.xlane v3, v0;
	_ =	sdelay $0x1  }
0x41: {  	v3 =	vperm.xlane v3, v2;
	v4 =	vadd.s32 v1, v4;
	_ =	sdelay $0x1  }
0x42: {  	v3 =	vadd.s32 v1, v3;
	_ =	sdelay $0x1  }
0x43: {  	s0 =	rddreg [dreg:$0xb]  }
0x44: {  	[tilespmem:s0], [sflag:$0x1] =	stream.indirect_vreg.gather [hbm4b:s1+s3], $0x80, v4, vm0, $0xb8;
	[tilespmem:$0x10100] =	vst v63  }
0x45: {  	s7 =	rddreg [dreg:$0xc]  }
0x46: {  	[tilespmem:s7], [sflag:$0x1] =	stream.indirect_vreg.gather [hbm4b:s1+s3], $0x80, v3, vm0, $0xb8;
	[tilespmem:$0x10100] =	vst v63  }
0x47: {  	v3 =	vld [tilespmem:$0x40];
	_ =	sdelay $0x4  }
0x48: {  	v52 =	vshll.u32 v3, $0x1  }
0x49: {  	v3 =	vand.u32 $0x7, v3;
	v4 =	vand.u32 $0xFFFFFFF0, v52  }
0x4a: {  	v3 =	vor.u32 v3, v4  }
0x4b: {  	v4 =	vperm.xlane v3, v0;
	_ =	sdelay $0x1  }
0x4c: {  	v3 =	vperm.xlane v3, v2;
	v4 =	vadd.s32 v1, v4;
	_ =	sdelay $0x1  }
0x4d: {  	v3 =	vadd.s32 v1, v3;
	_ =	sdelay $0x1  }
0x4e: {  	s7 =	simm.s32 $0x4100  }
0x4f: {  	[tilespmem:s7], [sflag:$0x1] =	stream.indirect_vreg.gather [hbm4b:s1+s3], $0x80, v4, vm0, $0xb8;
	[tilespmem:$0x10100] =	vst v63  }
0x50: {  	_ = 	snop  }
0x51: {  	[tilespmem:s8], [sflag:$0x1] =	stream.indirect_vreg.gather [hbm4b:s1+s3], $0x80, v3, vm0, $0xb8;
	[tilespmem:$0x10100] =	vst v63  }
0x52: {  	v3 =	vld [tilespmem:$0x50];
	_ =	sdelay $0x4  }
0x53: {  	v53 =	vshll.u32 v3, $0x1  }
0x54: {  	v3 =	vand.u32 $0x7, v3;
	v4 =	vand.u32 $0xFFFFFFF0, v53  }
0x55: {  	v3 =	vor.u32 v3, v4  }
0x56: {  	v4 =	vperm.xlane v3, v0;
	_ =	sdelay $0x1  }
0x57: {  	v3 =	vperm.xlane v3, v2;
	v4 =	vadd.s32 v1, v4;
	_ =	sdelay $0x1  }
0x58: {  	v3 =	vadd.s32 v1, v3;
	_ =	sdelay $0x2  }
0x59: {  	[tilespmem:s9], [sflag:$0x1] =	stream.indirect_vreg.gather [hbm4b:s1+s3], $0x80, v4, vm0, $0xb8;
	[tilespmem:$0x10100] =	vst v63  }
0x5a: {  	_ = 	snop  }
0x5b: {  	[tilespmem:s10], [sflag:$0x1] =	stream.indirect_vreg.gather [hbm4b:s1+s3], $0x80, v3, vm0, $0xb8;
	[tilespmem:$0x10100] =	vst v63  }
0x5c: {  	v3 =	vld [tilespmem:$0x60];
	_ =	sdelay $0x4  }
0x5d: {  	v54 =	vshll.u32 v3, $0x1  }
0x5e: {  	v3 =	vand.u32 $0x7, v3;
	v4 =	vand.u32 $0xFFFFFFF0, v54  }
0x5f: {  	v3 =	vor.u32 v3, v4  }
0x60: {  	v4 =	vperm.xlane v3, v0;
	_ =	sdelay $0x1  }
0x61: {  	v3 =	vperm.xlane v3, v2;
	v4 =	vadd.s32 v1, v4;
	_ =	sdelay $0x1  }
0x62: {  	v3 =	vadd.s32 v1, v3;
	_ =	sdelay $0x2  }
0x63: {  	[tilespmem:s11], [sflag:$0x1] =	stream.indirect_vreg.gather [hbm4b:s1+s3], $0x80, v4, vm0, $0xb8;
	[tilespmem:$0x10100] =	vst v63  }
0x64: {  	_ = 	snop  }
0x65: {  	[tilespmem:s12], [sflag:$0x1] =	stream.indirect_vreg.gather [hbm4b:s1+s3], $0x80, v3, vm0, $0xb8;
	[tilespmem:$0x10100] =	vst v63  }
0x66: {  	v3 =	vld [tilespmem:$0x70];
	_ =	sdelay $0x4  }
0x67: {  	v55 =	vshll.u32 v3, $0x1  }
0x68: {  	v3 =	vand.u32 $0x7, v3;
	v4 =	vand.u32 $0xFFFFFFF0, v55  }
0x69: {  	v3 =	vor.u32 v3, v4  }
0x6a: {  	v4 =	vperm.xlane v3, v0;
	_ =	sdelay $0x1  }
0x6b: {  	v3 =	vperm.xlane v3, v2;
	v4 =	vadd.s32 v1, v4;
	_ =	sdelay $0x1  }
0x6c: {  	v3 =	vadd.s32 v1, v3;
	_ =	sdelay $0x2  }
0x6d: {  	[tilespmem:s13], [sflag:$0x1] =	stream.indirect_vreg.gather [hbm4b:s1+s3], $0x80, v4, vm0, $0xb8;
	[tilespmem:$0x10100] =	vst v63  }
0x6e: {  	_ = 	snop  }
0x6f: {  	[tilespmem:s14], [sflag:$0x1] =	stream.indirect_vreg.gather [hbm4b:s1+s3], $0x80, v3, vm0, $0xb8;
	[tilespmem:$0x10100] =	vst v63  }
0x70: {  	v3 =	vld [tilespmem:$0x80];
	_ =	sdelay $0x4  }
0x71: {  	v56 =	vshll.u32 v3, $0x1  }
0x72: {  	v3 =	vand.u32 $0x7, v3;
	v4 =	vand.u32 $0xFFFFFFF0, v56  }
0x73: {  	v3 =	vor.u32 v3, v4  }
0x74: {  	v4 =	vperm.xlane v3, v0;
	_ =	sdelay $0x1  }
0x75: {  	v3 =	vperm.xlane v3, v2;
	v4 =	vadd.s32 v1, v4;
	_ =	sdelay $0x1  }
0x76: {  	v3 =	vadd.s32 v1, v3;
	_ =	sdelay $0x2  }
0x77: {  	[tilespmem:s15], [sflag:$0x1] =	stream.indirect_vreg.gather [hbm4b:s1+s3], $0x80, v4, vm0, $0xb8;
	[tilespmem:$0x10100] =	vst v63  }
0x78: {  	_ = 	snop  }
0x79: {  	[tilespmem:s16], [sflag:$0x1] =	stream.indirect_vreg.gather [hbm4b:s1+s3], $0x80, v3, vm0, $0xb8;
	[tilespmem:$0x10100] =	vst v63  }
0x7a: {  	v3 =	vld [tilespmem:$0x90];
	_ =	sdelay $0x4  }
0x7b: {  	v57 =	vshll.u32 v3, $0x1  }
0x7c: {  	v3 =	vand.u32 $0x7, v3;
	v4 =	vand.u32 $0xFFFFFFF0, v57  }
0x7d: {  	v3 =	vor.u32 v3, v4  }
0x7e: {  	v4 =	vperm.xlane v3, v0;
	_ =	sdelay $0x1  }
0x7f: {  	v3 =	vperm.xlane v3, v2;
	v4 =	vadd.s32 v1, v4;
	_ =	sdelay $0x1  }
0x80: {  	v3 =	vadd.s32 v1, v3;
	_ =	sdelay $0x2  }
0x81: {  	[tilespmem:s17], [sflag:$0x1] =	stream.indirect_vreg.gather [hbm4b:s1+s3], $0x80, v4, vm0, $0xb8;
	[tilespmem:$0x10100] =	vst v63  }
0x82: {  	_ = 	snop  }
0x83: {  	[tilespmem:s18], [sflag:$0x1] =	stream.indirect_vreg.gather [hbm4b:s1+s3], $0x80, v3, vm0, $0xb8;
	[tilespmem:$0x10100] =	vst v63  }
0x84: {  	v3 =	vld [tilespmem:$0xA0];
	_ =	sdelay $0x4  }
0x85: {  	v58 =	vshll.u32 v3, $0x1  }
0x86: {  	v3 =	vand.u32 $0x7, v3;
	v4 =	vand.u32 $0xFFFFFFF0, v58  }
0x87: {  	v3 =	vor.u32 v3, v4  }
0x88: {  	v4 =	vperm.xlane v3, v0;
	_ =	sdelay $0x1  }
0x89: {  	v3 =	vperm.xlane v3, v2;
	v4 =	vadd.s32 v1, v4;
	_ =	sdelay $0x1  }
0x8a: {  	v3 =	vadd.s32 v1, v3;
	_ =	sdelay $0x2  }
0x8b: {  	[tilespmem:s19], [sflag:$0x1] =	stream.indirect_vreg.gather [hbm4b:s1+s3], $0x80, v4, vm0, $0xb8;
	[tilespmem:$0x10100] =	vst v63  }
0x8c: {  	_ = 	snop  }
0x8d: {  	[tilespmem:s20], [sflag:$0x1] =	stream.indirect_vreg.gather [hbm4b:s1+s3], $0x80, v3, vm0, $0xb8;
	[tilespmem:$0x10100] =	vst v63  }
0x8e: {  	v3 =	vld [tilespmem:$0xB0];
	_ =	sdelay $0x4  }
0x8f: {  	v59 =	vshll.u32 v3, $0x1  }
0x90: {  	v3 =	vand.u32 $0x7, v3;
	v4 =	vand.u32 $0xFFFFFFF0, v59  }
0x91: {  	v3 =	vor.u32 v3, v4  }
0x92: {  	v4 =	vperm.xlane v3, v0;
	_ =	sdelay $0x1  }
0x93: {  	v3 =	vperm.xlane v3, v2;
	v4 =	vadd.s32 v1, v4;
	_ =	sdelay $0x1  }
0x94: {  	v3 =	vadd.s32 v1, v3;
	_ =	sdelay $0x2  }
0x95: {  	[tilespmem:s21], [sflag:$0x1] =	stream.indirect_vreg.gather [hbm4b:s1+s3], $0x80, v4, vm0, $0xb8;
	[tilespmem:$0x10100] =	vst v63  }
0x96: {  	_ = 	snop  }
0x97: {  	[tilespmem:s22], [sflag:$0x1] =	stream.indirect_vreg.gather [hbm4b:s1+s3], $0x80, v3, vm0, $0xb8;
	[tilespmem:$0x10100] =	vst v63  }
0x98: {  	v3 =	vld [tilespmem:$0xC0];
	_ =	sdelay $0x4  }
0x99: {  	v60 =	vshll.u32 v3, $0x1  }
0x9a: {  	v3 =	vand.u32 $0x7, v3;
	v4 =	vand.u32 $0xFFFFFFF0, v60  }
0x9b: {  	v3 =	vor.u32 v3, v4  }
0x9c: {  	v4 =	vperm.xlane v3, v0;
	_ =	sdelay $0x1  }
0x9d: {  	v3 =	vperm.xlane v3, v2;
	v4 =	vadd.s32 v1, v4;
	_ =	sdelay $0x1  }
0x9e: {  	v3 =	vadd.s32 v1, v3;
	_ =	sdelay $0x2  }
0x9f: {  	[tilespmem:s23], [sflag:$0x1] =	stream.indirect_vreg.gather [hbm4b:s1+s3], $0x80, v4, vm0, $0xb8;
	[tilespmem:$0x10100] =	vst v63  }
0xa0: {  	_ = 	snop  }
0xa1: {  	[tilespmem:s24], [sflag:$0x1] =	stream.indirect_vreg.gather [hbm4b:s1+s3], $0x80, v3, vm0, $0xb8;
	[tilespmem:$0x10100] =	vst v63  }
0xa2: {  	v3 =	vld [tilespmem:$0xD0];
	_ =	sdelay $0x4  }
0xa3: {  	v61 =	vshll.u32 v3, $0x1  }
0xa4: {  	v3 =	vand.u32 $0x7, v3;
	v4 =	vand.u32 $0xFFFFFFF0, v61  }
0xa5: {  	v3 =	vor.u32 v3, v4  }
0xa6: {  	v4 =	vperm.xlane v3, v0;
	_ =	sdelay $0x1  }
0xa7: {  	v3 =	vperm.xlane v3, v2;
	v4 =	vadd.s32 v1, v4;
	_ =	sdelay $0x1  }
0xa8: {  	v3 =	vadd.s32 v1, v3;
	_ =	sdelay $0x2  }
0xa9: {  	[tilespmem:s25], [sflag:$0x1] =	stream.indirect_vreg.gather [hbm4b:s1+s3], $0x80, v4, vm0, $0xb8;
	[tilespmem:$0x10100] =	vst v63  }
0xaa: {  	_ = 	snop  }
0xab: {  	[tilespmem:s26], [sflag:$0x1] =	stream.indirect_vreg.gather [hbm4b:s1+s3], $0x80, v3, vm0, $0xb8;
	[tilespmem:$0x10100] =	vst v63  }
0xac: {  	v3 =	vld [tilespmem:$0xE0];
	_ =	sdelay $0x4  }
0xad: {  	v62 =	vshll.u32 v3, $0x1  }
0xae: {  	v3 =	vand.u32 $0x7, v3;
	v4 =	vand.u32 $0xFFFFFFF0, v62  }
0xaf: {  	v3 =	vor.u32 v3, v4  }
0xb0: {  	v4 =	vperm.xlane v3, v0;
	_ =	sdelay $0x1  }
0xb1: {  	v3 =	vperm.xlane v3, v2;
	v4 =	vadd.s32 v1, v4;
	_ =	sdelay $0x1  }
0xb2: {  	v3 =	vadd.s32 v1, v3;
	_ =	sdelay $0x2  }
0xb3: {  	[tilespmem:s28], [sflag:$0x1] =	stream.indirect_vreg.gather [hbm4b:s1+s3], $0x80, v4, vm0, $0xb8;
	[tilespmem:$0x10100] =	vst v63  }
0xb4: {  	_ = 	snop  }
0xb5: {  	[tilespmem:s29], [sflag:$0x1] =	stream.indirect_vreg.gather [hbm4b:s1+s3], $0x80, v3, vm0, $0xb8;
	[tilespmem:$0x10100] =	vst v63  }
0xb6: {  	v3 =	vld [tilespmem:$0xF0];
	_ =	sdelay $0x4  }
0xb7: {  	v63 =	vshll.u32 v3, $0x1  }
0xb8: {  	v3 =	vand.u32 $0x7, v3;
	v4 =	vand.u32 $0xFFFFFFF0, v63  }
0xb9: {  	v3 =	vor.u32 v3, v4  }
0xba: {  	v4 =	vperm.xlane v3, v0;
	_ =	sdelay $0x1  }
0xbb: {  	v3 =	vperm.xlane v3, v2;
	v4 =	vadd.s32 v1, v4;
	_ =	sdelay $0x1  }
0xbc: {  	v3 =	vadd.s32 v1, v3;
	_ =	sdelay $0x2  }
0xbd: {  	[tilespmem:s30], [sflag:$0x1] =	stream.indirect_vreg.gather [hbm4b:s1+s3], $0x80, v4, vm0, $0xb8;
	[tilespmem:$0x10100] =	vst v63  }
0xbe: {  	_ = 	snop  }
0xbf: {  	[tilespmem:s31], [sflag:$0x1] =	stream.indirect_vreg.gather [hbm4b:s1+s3], $0x80, v3, vm0, $0xb8;
	[tilespmem:$0x10100] =	vst v63  }
0xc0: {  	_ =	swait.ge [sflag:s2], $0x8000  }
0xc1: {  	[sflag:s2] =	ssyncset.done $0x0  }
0xc2: {  	[sflag:s2] =	ssyncadd.s32 $0xFFFF8000  }
0xc3: {  	_ =	swait.ge [sflag:s2], $0x8000  }
0xc4: {  	p0 =	sne.s32 s4, $0x1;
	[sflag:s2] =	ssyncset.done $0x0  }
.Ltmp0:
0xc5: {  	s7 =	rddreg [dreg:$0x5];
	[sflag:s2] =	ssyncadd.s32 $0xFFFF8000;
	(pc) =	sbr.rel @p0 .LBB2_1-.Ltmp0, $4  }
0xc6: {  	[hbm4b:s7+s3] =	stream.linear.scatter [tilespmem:s6], [sflag:$0x2], $0x10000, $0x38;
	[tilespmem:$0x10100] =	vst v63  }
0xc7: {  	_ =	swait.ge [sflag:s5], $0x10000  }
0xc8: {  	[sflag:s5] =	ssyncset.done $0x0  }
0xc9: {  	s4 =	sadd.s32 $0xFFFFFFFF, s4;
	[sflag:s5] =	ssyncadd.s32 $0xFFFF0000  }
0xca: {  	_ =	sfence.sel $0x180000  }
0xcb: {  	[bflag:$0x0] =	sbarrier.arrive $0xFFFF  }
0xcc: {  	_ =	strace $0x90000047  }
0xcd: {  	s0 =	stileid.u32;
	[bflag:$0x2] =	sbarrier.arrive $0xFFFF  }
0xce: {  	p0 =	sne.s32 s0, $0x0;
	s0 =	rddreg [dreg:$0x3]  }
0xcf: {  	s0 =	sadd.s32 @!p0 $0x100000, s0  }
0xd0: {  	[sflag:s0] =	ssyncadd.tile.s32 @!p0 $0x1;
	_ =	shalt  }
.Lfunc_end2:
_tile_overlayer_lowered:
.L_overlay_start_2:
0xd1: {  	(tag) =	ssettag $0x2  }
0xd2: {  	s0 =	rddreg [dreg:$0x0];
	s2 =	stileid.u32  }
0xd3: {  	s1 =	rddreg [dreg:$0x1];
	p0 =	sne.s32 s2, $0x0  }
0xd4: {  	s3 =	rddreg [dreg:$0x2];
	[bflag:$0x3] =	sbarrier.arrive $0xFFFF;
	s2 =	simm.s32 @!p0 $0x1C02  }
0xd5: {  	[timem:s3], [sflag:s2] =	dma.local @!p0 [hbm:s0], s1  }
0xd6: {  	s0 =	simm.s32 @!p0 $0x2  }
0xd7: {  	_ =	swait.ge @!p0 [sflag:s0], s1  }
0xd8: {  	s1 =	ssub.s32 @!p0 $0x0, s1;
	[sflag:s0] =	ssyncset.done @!p0 $0x0  }
0xd9: {  	[sflag:s0] =	ssyncadd.s32 @!p0 s1  }
0xda: {  	[bflag:$0x3] =	sbarrier.arrive $0xFFFF  }
0xdb: {  	_ =	shalt  }

</sc_bundles>
